<compile_context>
chip_gen: v7x
topology: tpu7x:2x2x1
jax: 0.10.2.dev20260603
libtpu: 0.0.44.dev20260713+nightly
codegen_flags: <defaults>
</compile_context>

<pallas_src>
import functools

import jax
import jax.numpy as jnp
from jax import lax
from jax.experimental import pallas as pl
from jax.experimental.pallas import tpu as pltpu
from jax.experimental.pallas import tpu_sc as plsc

_B = 4096
_D = 64
_H = 128
_NC = 2
_NS = 16
_NW = _NC * _NS
_BPW = _B // _NW
_TB = 512


def _build_sc_gather(n_tables):
    mesh = plsc.VectorSubcoreMesh(core_axis_name="c", subcore_axis_name="s")

    @functools.partial(
        pl.kernel,
        mesh=mesh,
        out_type=[jax.ShapeDtypeStruct((_B, _D), jnp.float32)
                  for _ in range(n_tables)],
        scratch_types=(
            [pltpu.VMEM((_BPW,), jnp.int32) for _ in range(n_tables)]
            + [pltpu.VMEM((_BPW, _D), jnp.float32) for _ in range(n_tables)]
            + [pltpu.SemaphoreType.DMA]
        ),
    )
    def gather_k(*refs):
        ids = refs[:n_tables]
        tabs = refs[n_tables:2 * n_tables]
        outs = refs[2 * n_tables:3 * n_tables]
        ibufs = refs[3 * n_tables:4 * n_tables]
        rbufs = refs[4 * n_tables:5 * n_tables]
        sem = refs[5 * n_tables]
        wid = lax.axis_index("s") * _NC + lax.axis_index("c")
        base = wid * _BPW
        for src, vbuf in zip(ids, ibufs):
            pltpu.sync_copy(src.at[pl.ds(base, _BPW)], vbuf)

        for idx_v, tab, rows in zip(ibufs, tabs, rbufs):
            @pl.loop(0, _BPW // 16)
            def _(g, idx_v=idx_v, tab=tab, rows=rows):
                vec = idx_v[pl.ds(g * 16, 16)]
                for k in range(16):
                    pltpu.async_copy(tab.at[pl.ds(vec[k], 1)],
                                     rows.at[pl.ds(g * 16 + k, 1)], sem)

        for out_hbm, rows in zip(outs, rbufs):
            pltpu.make_async_copy(
                out_hbm.at[pl.ds(base, _BPW)], rows, sem).wait()
            pltpu.sync_copy(rows, out_hbm.at[pl.ds(base, _BPW)])

    return gather_k


_SC_GATHER_CACHE = {}


def _sc_gather(n_tables):
    if n_tables not in _SC_GATHER_CACHE:
        _SC_GATHER_CACHE[n_tables] = _build_sc_gather(n_tables)
    return _SC_GATHER_CACHE[n_tables]


def _mlp_body(p_ref, d_ref, c_ref, m_ref, cr_ref, w1_ref, b1_ref, w2_ref,
              b2_ref, o_ref):
    x = jnp.concatenate(
        [p_ref[...], d_ref[...], c_ref[...], m_ref[...], cr_ref[...]], axis=1)
    h = jnp.dot(x, w1_ref[...], preferred_element_type=jnp.float32)
    h = jnp.maximum(h + b1_ref[...], 0.0)
    o = jnp.dot(h, w2_ref[...], preferred_element_type=jnp.float32)
    o_ref[...] = jnp.maximum(o + b2_ref[...], 0.0)


_ROW_TILE = pl.BlockSpec((_TB, _D), lambda i: (i, 0))

_MLP = pl.pallas_call(
    _mlp_body,
    grid=(_B // _TB,),
    in_specs=[
        _ROW_TILE, _ROW_TILE, _ROW_TILE, _ROW_TILE, _ROW_TILE,
        pl.BlockSpec((5 * _D, _H), lambda i: (0, 0)),
        pl.BlockSpec((1, _H), lambda i: (0, 0)),
        pl.BlockSpec((_H, _D), lambda i: (0, 0)),
        pl.BlockSpec((1, _D), lambda i: (0, 0)),
    ],
    out_specs=_ROW_TILE,
    out_shape=jax.ShapeDtypeStruct((_B, _D), jnp.float32),
    compiler_params=pltpu.CompilerParams(
        dimension_semantics=("parallel",)),
)


def kernel(post_id, description_embedding, category_id, media_type,
           creator_id, post_table, category_table, media_table,
           creator_table, W1, b1, W2, b2):
    pid = post_id.astype(jnp.int32)
    cid = category_id.astype(jnp.int32)
    mid = media_type.astype(jnp.int32)
    crid = creator_id.astype(jnp.int32)
    c_e, m_e, cr_e = _sc_gather(3)(
        cid, mid, crid, category_table, media_table, creator_table)
    (p_e,) = _sc_gather(1)(pid, post_table)
    return _MLP(p_e, description_embedding, c_e, m_e, cr_e,
                W1, b1.reshape(1, _H), W2, b2.reshape(1, _D))

# --- scband reference (transcript-rebuilt; emitter-appended) ---
"""Pipeline reference for scband-post-tower-71502615544360 (READ-ONLY COPY).

The authoritative reference and input builder live on the scoring server;
editing this copy changes nothing except your own understanding.
"""

import jax, jax.numpy as jnp
import numpy as np

B = 4096
D = 64
POST_V = 1000000
CAT_V = 1000
MEDIA_V = 10
CREATOR_V = 100000


def setup_inputs(seed: int = 0) -> dict:
    key = jax.random.key(seed)
    ks = jax.random.split(key, 13)
    return {
        "post_id": jax.random.randint(ks[0], (B,), 0, POST_V, dtype=jnp.int64) if jax.config.jax_enable_x64 else jax.random.randint(ks[0], (B,), 0, POST_V).astype(jnp.int32),
        "description_embedding": jax.random.normal(ks[1], (B, D), dtype=jnp.float32),
        "category_id": jax.random.randint(ks[2], (B,), 0, CAT_V).astype(jnp.int32),
        "media_type": jax.random.randint(ks[3], (B,), 0, MEDIA_V).astype(jnp.int32),
        "creator_id": jax.random.randint(ks[4], (B,), 0, CREATOR_V).astype(jnp.int32),
        "post_table": jax.random.normal(ks[5], (POST_V, D), dtype=jnp.float32) * 0.05,
        "category_table": jax.random.normal(ks[6], (CAT_V, D), dtype=jnp.float32) * 0.05,
        "media_table": jax.random.normal(ks[7], (MEDIA_V, D), dtype=jnp.float32) * 0.05,
        "creator_table": jax.random.normal(ks[8], (CREATOR_V, D), dtype=jnp.float32) * 0.05,
        "W1": jax.random.normal(ks[9], (5 * D, 128), dtype=jnp.float32) * 0.05,
        "b1": jnp.zeros((128,), dtype=jnp.float32),
        "W2": jax.random.normal(ks[10], (128, D), dtype=jnp.float32) * 0.05,
        "b2": jnp.zeros((D,), dtype=jnp.float32),
    }


def reference(post_id, description_embedding, category_id, media_type, creator_id,
              post_table, category_table, media_table, creator_table,
              W1, b1, W2, b2):
    post_e = jnp.take(post_table, post_id, axis=0)
    cat_e = jnp.take(category_table, category_id, axis=0)
    media_e = jnp.take(media_table, media_type, axis=0)
    creator_e = jnp.take(creator_table, creator_id, axis=0)
    concat = jnp.concatenate([post_e, description_embedding, cat_e, media_e, creator_e], axis=-1)
    h = jax.nn.relu(concat @ W1 + b1)
    out = jax.nn.relu(h @ W2 + b2)
    return out

if __name__ == "__main__":
    import jax
    _d = setup_inputs()
    print(jax.jit(kernel)(*tuple(_d.values())))

</pallas_src>

<mosaic_0001>
#map = affine_map<(d0, d1) -> (0)>
#map1 = affine_map<(d0, d1) -> (0, 0)>
module attributes {stable_mosaic.version = 14 : i64} {
  func.func @gather_k(%arg0: i32, %arg1: i32, %arg2: memref<4096xi32, #tpu.memory_space<hbm>>, %arg3: memref<1000000x64xf32, #tpu.memory_space<hbm>>, %arg4: memref<4096x64xf32, #tpu.memory_space<hbm>>, %arg5: memref<128xi32, #tpu.memory_space<vmem>>, %arg6: memref<128x64xf32, #tpu.memory_space<vmem>>, %arg7: memref<!tpu.dma_semaphore, #tpu.memory_space<semaphore_mem>>) attributes {dimension_semantics = [#tpu.dimension_semantics<core_parallel>, #tpu.dimension_semantics<subcore_parallel>], iteration_bounds = array<i64: 2, 16>, scalar_prefetch = 0 : i64, scratch_operands = 3 : i64, tpu.core_type = #tpu.core_type<sc_vector_subcore>, window_params = [{transform_indices = #map}, {transform_indices = #map1}, {transform_indices = #map1}]} {
    %mul3A = arith.constant 2 : i32
    %mul3A_0 = arith.muli %arg1, %mul3A : i32
    %add3A = arith.addi %mul3A_0, %arg0 : i32
    %mul3A_1 = arith.constant 128 : i32
    %mul3A_2 = arith.muli %add3A, %mul3A_1 : i32
    "tpu.region"() ({
      %run_scoped3A = tpu.sem_alloc : memref<!tpu.dma_semaphore, #tpu.memory_space<semaphore_mem>>
      %dma_start3A = tpu.memref_slice %arg2[%mul3A_2] : memref<4096xi32, #tpu.memory_space<hbm>> -> memref<128xi32, #tpu.memory_space<hbm>>
      %dma_start3A_10 = tpu.memref_slice %arg2[%mul3A_2] : memref<4096xi32, #tpu.memory_space<hbm>> -> memref<128xi32, #tpu.memory_space<hbm>>
      tpu.enqueue_dma source(%dma_start3A_10 : memref<128xi32, #tpu.memory_space<hbm>>) target(%arg5 : memref<128xi32, #tpu.memory_space<vmem>>) target_semaphore(%run_scoped3A : memref<!tpu.dma_semaphore, #tpu.memory_space<semaphore_mem>>)
      %dma_wait3A_11 = tpu.memref_slice %arg2[%mul3A_2] : memref<4096xi32, #tpu.memory_space<hbm>> -> memref<128xi32, #tpu.memory_space<hbm>>
      %dma_wait3A_12 = tpu.memref_slice %arg2[%mul3A_2] : memref<4096xi32, #tpu.memory_space<hbm>> -> memref<128xi32, #tpu.memory_space<hbm>>
      tpu.wait_dma2 semaphore(%run_scoped3A : memref<!tpu.dma_semaphore, #tpu.memory_space<semaphore_mem>>) src(%dma_wait3A_12 : memref<128xi32, #tpu.memory_space<hbm>>) dst(%arg5 : memref<128xi32, #tpu.memory_space<vmem>>)
      tpu.yield
    }) : () -> ()
    %scan3A = arith.constant 0 : i32
    %scan3A_3 = arith.constant 8 : i32
    %scan3A_4 = arith.addi %scan3A, %scan3A_3 : i32
    %scan3A_5 = arith.constant 1 : i32
    scf.for %scan3A_10 = %scan3A to %scan3A_4 step %scan3A_5  : i32 {
      %mul3A_11 = arith.constant 1 : i32
      %mul3A_12 = arith.muli %scan3A_10, %mul3A_11 : i32
      %add3A_13 = arith.constant 0 : i32
      %add3A_14 = arith.addi %add3A_13, %mul3A_12 : i32
      %mul3A_15 = arith.constant 16 : i32
      %mul3A_16 = arith.muli %add3A_14, %mul3A_15 : i32
      %get3A = arith.index_cast %mul3A_16 : i32 to index
      %get3A_17 = tpu.vector_load %arg5[%get3A] {strides = array<i32>} : memref<128xi32, #tpu.memory_space<vmem>>, vector<16xi32>,
      %get3A_18 = vector.shape_cast %get3A_17 : vector<16xi32> to vector<16xi32>
      %slice3A = vector.extract_strided_slice %get3A_18 {offsets = [0], sizes = [1], strides = [1]} : vector<16xi32> to vector<1xi32>
      %squeeze3A = vector.extract %slice3A[0] : i32 from vector<1xi32>
      %mul3A_19 = arith.constant 16 : i32
      %mul3A_20 = arith.muli %add3A_14, %mul3A_19 : i32
      %add3A_21 = arith.constant 0 : i32
      %add3A_22 = arith.addi %mul3A_20, %add3A_21 : i32
      %dma_start3A = arith.constant 0 : i32
      %dma_start3A_23 = tpu.memref_slice %arg6[%add3A_22, %dma_start3A] : memref<128x64xf32, #tpu.memory_space<vmem>> -> memref<1x64xf32, #tpu.memory_space<vmem>>
      %dma_start3A_24 = arith.constant 0 : i32
      %dma_start3A_25 = tpu.memref_slice %arg3[%squeeze3A, %dma_start3A_24] : memref<1000000x64xf32, #tpu.memory_space<hbm>> -> memref<1x64xf32, #tpu.memory_space<hbm>>
      %dma_start3A_26 = arith.constant 0 : i32
      %dma_start3A_27 = tpu.memref_slice %arg6[%add3A_22, %dma_start3A_26] : memref<128x64xf32, #tpu.memory_space<vmem>> -> memref<1x64xf32, #tpu.memory_space<vmem>>
      %dma_start3A_28 = arith.constant 0 : i32
      %dma_start3A_29 = tpu.memref_slice %arg3[%squeeze3A, %dma_start3A_28] : memref<1000000x64xf32, #tpu.memory_space<hbm>> -> memref<1x64xf32, #tpu.memory_space<hbm>>
      tpu.enqueue_dma source(%dma_start3A_29 : memref<1x64xf32, #tpu.memory_space<hbm>>) target(%dma_start3A_27 : memref<1x64xf32, #tpu.memory_space<vmem>>) target_semaphore(%arg7 : memref<!tpu.dma_semaphore, #tpu.memory_space<semaphore_mem>>)
      %slice3A_30 = vector.extract_strided_slice %get3A_18 {offsets = [1], sizes = [1], strides = [1]} : vector<16xi32> to vector<1xi32>
      %squeeze3A_31 = vector.extract %slice3A_30[0] : i32 from vector<1xi32>
      %mul3A_32 = arith.constant 16 : i32
      %mul3A_33 = arith.muli %add3A_14, %mul3A_32 : i32
      %add3A_34 = arith.constant 1 : i32
      %add3A_35 = arith.addi %mul3A_33, %add3A_34 : i32
      %dma_start3A_36 = arith.constant 0 : i32
      %dma_start3A_37 = tpu.memref_slice %arg6[%add3A_35, %dma_start3A_36] : memref<128x64xf32, #tpu.memory_space<vmem>> -> memref<1x64xf32, #tpu.memory_space<vmem>>
      %dma_start3A_38 = arith.constant 0 : i32
      %dma_start3A_39 = tpu.memref_slice %arg3[%squeeze3A_31, %dma_start3A_38] : memref<1000000x64xf32, #tpu.memory_space<hbm>> -> memref<1x64xf32, #tpu.memory_space<hbm>>
      %dma_start3A_40 = arith.constant 0 : i32
      %dma_start3A_41 = tpu.memref_slice %arg6[%add3A_35, %dma_start3A_40] : memref<128x64xf32, #tpu.memory_space<vmem>> -> memref<1x64xf32, #tpu.memory_space<vmem>>
      %dma_start3A_42 = arith.constant 0 : i32
      %dma_start3A_43 = tpu.memref_slice %arg3[%squeeze3A_31, %dma_start3A_42] : memref<1000000x64xf32, #tpu.memory_space<hbm>> -> memref<1x64xf32, #tpu.memory_space<hbm>>
      tpu.enqueue_dma source(%dma_start3A_43 : memref<1x64xf32, #tpu.memory_space<hbm>>) target(%dma_start3A_41 : memref<1x64xf32, #tpu.memory_space<vmem>>) target_semaphore(%arg7 : memref<!tpu.dma_semaphore, #tpu.memory_space<semaphore_mem>>)
      %slice3A_44 = vector.extract_strided_slice %get3A_18 {offsets = [2], sizes = [1], strides = [1]} : vector<16xi32> to vector<1xi32>
      %squeeze3A_45 = vector.extract %slice3A_44[0] : i32 from vector<1xi32>
      %mul3A_46 = arith.constant 16 : i32
      %mul3A_47 = arith.muli %add3A_14, %mul3A_46 : i32
      %add3A_48 = arith.constant 2 : i32
      %add3A_49 = arith.addi %mul3A_47, %add3A_48 : i32
      %dma_start3A_50 = arith.constant 0 : i32
      %dma_start3A_51 = tpu.memref_slice %arg6[%add3A_49, %dma_start3A_50] : memref<128x64xf32, #tpu.memory_space<vmem>> -> memref<1x64xf32, #tpu.memory_space<vmem>>
      %dma_start3A_52 = arith.constant 0 : i32
      %dma_start3A_53 = tpu.memref_slice %arg3[%squeeze3A_45, %dma_start3A_52] : memref<1000000x64xf32, #tpu.memory_space<hbm>> -> memref<1x64xf32, #tpu.memory_space<hbm>>
      %dma_start3A_54 = arith.constant 0 : i32
      %dma_start3A_55 = tpu.memref_slice %arg6[%add3A_49, %dma_start3A_54] : memref<128x64xf32, #tpu.memory_space<vmem>> -> memref<1x64xf32, #tpu.memory_space<vmem>>
      %dma_start3A_56 = arith.constant 0 : i32
      %dma_start3A_57 = tpu.memref_slice %arg3[%squeeze3A_45, %dma_start3A_56] : memref<1000000x64xf32, #tpu.memory_space<hbm>> -> memref<1x64xf32, #tpu.memory_space<hbm>>
      tpu.enqueue_dma source(%dma_start3A_57 : memref<1x64xf32, #tpu.memory_space<hbm>>) target(%dma_start3A_55 : memref<1x64xf32, #tpu.memory_space<vmem>>) target_semaphore(%arg7 : memref<!tpu.dma_semaphore, #tpu.memory_space<semaphore_mem>>)
      %slice3A_58 = vector.extract_strided_slice %get3A_18 {offsets = [3], sizes = [1], strides = [1]} : vector<16xi32> to vector<1xi32>
      %squeeze3A_59 = vector.extract %slice3A_58[0] : i32 from vector<1xi32>
      %mul3A_60 = arith.constant 16 : i32
      %mul3A_61 = arith.muli %add3A_14, %mul3A_60 : i32
      %add3A_62 = arith.constant 3 : i32
      %add3A_63 = arith.addi %mul3A_61, %add3A_62 : i32
      %dma_start3A_64 = arith.constant 0 : i32
      %dma_start3A_65 = tpu.memref_slice %arg6[%add3A_63, %dma_start3A_64] : memref<128x64xf32, #tpu.memory_space<vmem>> -> memref<1x64xf32, #tpu.memory_space<vmem>>
      %dma_start3A_66 = arith.constant 0 : i32
      %dma_start3A_67 = tpu.memref_slice %arg3[%squeeze3A_59, %dma_start3A_66] : memref<1000000x64xf32, #tpu.memory_space<hbm>> -> memref<1x64xf32, #tpu.memory_space<hbm>>
      %dma_start3A_68 = arith.constant 0 : i32
      %dma_start3A_69 = tpu.memref_slice %arg6[%add3A_63, %dma_start3A_68] : memref<128x64xf32, #tpu.memory_space<vmem>> -> memref<1x64xf32, #tpu.memory_space<vmem>>
      %dma_start3A_70 = arith.constant 0 : i32
      %dma_start3A_71 = tpu.memref_slice %arg3[%squeeze3A_59, %dma_start3A_70] : memref<1000000x64xf32, #tpu.memory_space<hbm>> -> memref<1x64xf32, #tpu.memory_space<hbm>>
      tpu.enqueue_dma source(%dma_start3A_71 : memref<1x64xf32, #tpu.memory_space<hbm>>) target(%dma_start3A_69 : memref<1x64xf32, #tpu.memory_space<vmem>>) target_semaphore(%arg7 : memref<!tpu.dma_semaphore, #tpu.memory_space<semaphore_mem>>)
      %slice3A_72 = vector.extract_strided_slice %get3A_18 {offsets = [4], sizes = [1], strides = [1]} : vector<16xi32> to vector<1xi32>
      %squeeze3A_73 = vector.extract %slice3A_72[0] : i32 from vector<1xi32>
      %mul3A_74 = arith.constant 16 : i32
      %mul3A_75 = arith.muli %add3A_14, %mul3A_74 : i32
      %add3A_76 = arith.constant 4 : i32
      %add3A_77 = arith.addi %mul3A_75, %add3A_76 : i32
      %dma_start3A_78 = arith.constant 0 : i32
      %dma_start3A_79 = tpu.memref_slice %arg6[%add3A_77, %dma_start3A_78] : memref<128x64xf32, #tpu.memory_space<vmem>> -> memref<1x64xf32, #tpu.memory_space<vmem>>
      %dma_start3A_80 = arith.constant 0 : i32
      %dma_start3A_81 = tpu.memref_slice %arg3[%squeeze3A_73, %dma_start3A_80] : memref<1000000x64xf32, #tpu.memory_space<hbm>> -> memref<1x64xf32, #tpu.memory_space<hbm>>
      %dma_start3A_82 = arith.constant 0 : i32
      %dma_start3A_83 = tpu.memref_slice %arg6[%add3A_77, %dma_start3A_82] : memref<128x64xf32, #tpu.memory_space<vmem>> -> memref<1x64xf32, #tpu.memory_space<vmem>>
      %dma_start3A_84 = arith.constant 0 : i32
      %dma_start3A_85 = tpu.memref_slice %arg3[%squeeze3A_73, %dma_start3A_84] : memref<1000000x64xf32, #tpu.memory_space<hbm>> -> memref<1x64xf32, #tpu.memory_space<hbm>>
      tpu.enqueue_dma source(%dma_start3A_85 : memref<1x64xf32, #tpu.memory_space<hbm>>) target(%dma_start3A_83 : memref<1x64xf32, #tpu.memory_space<vmem>>) target_semaphore(%arg7 : memref<!tpu.dma_semaphore, #tpu.memory_space<semaphore_mem>>)
      %slice3A_86 = vector.extract_strided_slice %get3A_18 {offsets = [5], sizes = [1], strides = [1]} : vector<16xi32> to vector<1xi32>
      %squeeze3A_87 = vector.extract %slice3A_86[0] : i32 from vector<1xi32>
      %mul3A_88 = arith.constant 16 : i32
      %mul3A_89 = arith.muli %add3A_14, %mul3A_88 : i32
      %add3A_90 = arith.constant 5 : i32
      %add3A_91 = arith.addi %mul3A_89, %add3A_90 : i32
      %dma_start3A_92 = arith.constant 0 : i32
      %dma_start3A_93 = tpu.memref_slice %arg6[%add3A_91, %dma_start3A_92] : memref<128x64xf32, #tpu.memory_space<vmem>> -> memref<1x64xf32, #tpu.memory_space<vmem>>
      %dma_start3A_94 = arith.constant 0 : i32
      %dma_start3A_95 = tpu.memref_slice %arg3[%squeeze3A_87, %dma_start3A_94] : memref<1000000x64xf32, #tpu.memory_space<hbm>> -> memref<1x64xf32, #tpu.memory_space<hbm>>
      %dma_start3A_96 = arith.constant 0 : i32
      %dma_start3A_97 = tpu.memref_slice %arg6[%add3A_91, %dma_start3A_96] : memref<128x64xf32, #tpu.memory_space<vmem>> -> memref<1x64xf32, #tpu.memory_space<vmem>>
      %dma_start3A_98 = arith.constant 0 : i32
      %dma_start3A_99 = tpu.memref_slice %arg3[%squeeze3A_87, %dma_start3A_98] : memref<1000000x64xf32, #tpu.memory_space<hbm>> -> memref<1x64xf32, #tpu.memory_space<hbm>>
      tpu.enqueue_dma source(%dma_start3A_99 : memref<1x64xf32, #tpu.memory_space<hbm>>) target(%dma_start3A_97 : memref<1x64xf32, #tpu.memory_space<vmem>>) target_semaphore(%arg7 : memref<!tpu.dma_semaphore, #tpu.memory_space<semaphore_mem>>)
      %slice3A_100 = vector.extract_strided_slice %get3A_18 {offsets = [6], sizes = [1], strides = [1]} : vector<16xi32> to vector<1xi32>
      %squeeze3A_101 = vector.extract %slice3A_100[0] : i32 from vector<1xi32>
      %mul3A_102 = arith.constant 16 : i32
      %mul3A_103 = arith.muli %add3A_14, %mul3A_102 : i32
      %add3A_104 = arith.constant 6 : i32
      %add3A_105 = arith.addi %mul3A_103, %add3A_104 : i32
      %dma_start3A_106 = arith.constant 0 : i32
      %dma_start3A_107 = tpu.memref_slice %arg6[%add3A_105, %dma_start3A_106] : memref<128x64xf32, #tpu.memory_space<vmem>> -> memref<1x64xf32, #tpu.memory_space<vmem>>
      %dma_start3A_108 = arith.constant 0 : i32
      %dma_start3A_109 = tpu.memref_slice %arg3[%squeeze3A_101, %dma_start3A_108] : memref<1000000x64xf32, #tpu.memory_space<hbm>> -> memref<1x64xf32, #tpu.memory_space<hbm>>
      %dma_start3A_110 = arith.constant 0 : i32
      %dma_start3A_111 = tpu.memref_slice %arg6[%add3A_105, %dma_start3A_110] : memref<128x64xf32, #tpu.memory_space<vmem>> -> memref<1x64xf32, #tpu.memory_space<vmem>>
      %dma_start3A_112 = arith.constant 0 : i32
      %dma_start3A_113 = tpu.memref_slice %arg3[%squeeze3A_101, %dma_start3A_112] : memref<1000000x64xf32, #tpu.memory_space<hbm>> -> memref<1x64xf32, #tpu.memory_space<hbm>>
      tpu.enqueue_dma source(%dma_start3A_113 : memref<1x64xf32, #tpu.memory_space<hbm>>) target(%dma_start3A_111 : memref<1x64xf32, #tpu.memory_space<vmem>>) target_semaphore(%arg7 : memref<!tpu.dma_semaphore, #tpu.memory_space<semaphore_mem>>)
      %slice3A_114 = vector.extract_strided_slice %get3A_18 {offsets = [7], sizes = [1], strides = [1]} : vector<16xi32> to vector<1xi32>
      %squeeze3A_115 = vector.extract %slice3A_114[0] : i32 from vector<1xi32>
      %mul3A_116 = arith.constant 16 : i32
      %mul3A_117 = arith.muli %add3A_14, %mul3A_116 : i32
      %add3A_118 = arith.constant 7 : i32
      %add3A_119 = arith.addi %mul3A_117, %add3A_118 : i32
      %dma_start3A_120 = arith.constant 0 : i32
      %dma_start3A_121 = tpu.memref_slice %arg6[%add3A_119, %dma_start3A_120] : memref<128x64xf32, #tpu.memory_space<vmem>> -> memref<1x64xf32, #tpu.memory_space<vmem>>
      %dma_start3A_122 = arith.constant 0 : i32
      %dma_start3A_123 = tpu.memref_slice %arg3[%squeeze3A_115, %dma_start3A_122] : memref<1000000x64xf32, #tpu.memory_space<hbm>> -> memref<1x64xf32, #tpu.memory_space<hbm>>
      %dma_start3A_124 = arith.constant 0 : i32
      %dma_start3A_125 = tpu.memref_slice %arg6[%add3A_119, %dma_start3A_124] : memref<128x64xf32, #tpu.memory_space<vmem>> -> memref<1x64xf32, #tpu.memory_space<vmem>>
      %dma_start3A_126 = arith.constant 0 : i32
      %dma_start3A_127 = tpu.memref_slice %arg3[%squeeze3A_115, %dma_start3A_126] : memref<1000000x64xf32, #tpu.memory_space<hbm>> -> memref<1x64xf32, #tpu.memory_space<hbm>>
      tpu.enqueue_dma source(%dma_start3A_127 : memref<1x64xf32, #tpu.memory_space<hbm>>) target(%dma_start3A_125 : memref<1x64xf32, #tpu.memory_space<vmem>>) target_semaphore(%arg7 : memref<!tpu.dma_semaphore, #tpu.memory_space<semaphore_mem>>)
      %slice3A_128 = vector.extract_strided_slice %get3A_18 {offsets = [8], sizes = [1], strides = [1]} : vector<16xi32> to vector<1xi32>
      %squeeze3A_129 = vector.extract %slice3A_128[0] : i32 from vector<1xi32>
      %mul3A_130 = arith.constant 16 : i32
      %mul3A_131 = arith.muli %add3A_14, %mul3A_130 : i32
      %add3A_132 = arith.constant 8 : i32
      %add3A_133 = arith.addi %mul3A_131, %add3A_132 : i32
      %dma_start3A_134 = arith.constant 0 : i32
      %dma_start3A_135 = tpu.memref_slice %arg6[%add3A_133, %dma_start3A_134] : memref<128x64xf32, #tpu.memory_space<vmem>> -> memref<1x64xf32, #tpu.memory_space<vmem>>
      %dma_start3A_136 = arith.constant 0 : i32
      %dma_start3A_137 = tpu.memref_slice %arg3[%squeeze3A_129, %dma_start3A_136] : memref<1000000x64xf32, #tpu.memory_space<hbm>> -> memref<1x64xf32, #tpu.memory_space<hbm>>
      %dma_start3A_138 = arith.constant 0 : i32
      %dma_start3A_139 = tpu.memref_slice %arg6[%add3A_133, %dma_start3A_138] : memref<128x64xf32, #tpu.memory_space<vmem>> -> memref<1x64xf32, #tpu.memory_space<vmem>>
      %dma_start3A_140 = arith.constant 0 : i32
      %dma_start3A_141 = tpu.memref_slice %arg3[%squeeze3A_129, %dma_start3A_140] : memref<1000000x64xf32, #tpu.memory_space<hbm>> -> memref<1x64xf32, #tpu.memory_space<hbm>>
      tpu.enqueue_dma source(%dma_start3A_141 : memref<1x64xf32, #tpu.memory_space<hbm>>) target(%dma_start3A_139 : memref<1x64xf32, #tpu.memory_space<vmem>>) target_semaphore(%arg7 : memref<!tpu.dma_semaphore, #tpu.memory_space<semaphore_mem>>)
      %slice3A_142 = vector.extract_strided_slice %get3A_18 {offsets = [9], sizes = [1], strides = [1]} : vector<16xi32> to vector<1xi32>
      %squeeze3A_143 = vector.extract %slice3A_142[0] : i32 from vector<1xi32>
      %mul3A_144 = arith.constant 16 : i32
      %mul3A_145 = arith.muli %add3A_14, %mul3A_144 : i32
      %add3A_146 = arith.constant 9 : i32
      %add3A_147 = arith.addi %mul3A_145, %add3A_146 : i32
      %dma_start3A_148 = arith.constant 0 : i32
      %dma_start3A_149 = tpu.memref_slice %arg6[%add3A_147, %dma_start3A_148] : memref<128x64xf32, #tpu.memory_space<vmem>> -> memref<1x64xf32, #tpu.memory_space<vmem>>
      %dma_start3A_150 = arith.constant 0 : i32
      %dma_start3A_151 = tpu.memref_slice %arg3[%squeeze3A_143, %dma_start3A_150] : memref<1000000x64xf32, #tpu.memory_space<hbm>> -> memref<1x64xf32, #tpu.memory_space<hbm>>
      %dma_start3A_152 = arith.constant 0 : i32
      %dma_start3A_153 = tpu.memref_slice %arg6[%add3A_147, %dma_start3A_152] : memref<128x64xf32, #tpu.memory_space<vmem>> -> memref<1x64xf32, #tpu.memory_space<vmem>>
      %dma_start3A_154 = arith.constant 0 : i32
      %dma_start3A_155 = tpu.memref_slice %arg3[%squeeze3A_143, %dma_start3A_154] : memref<1000000x64xf32, #tpu.memory_space<hbm>> -> memref<1x64xf32, #tpu.memory_space<hbm>>
      tpu.enqueue_dma source(%dma_start3A_155 : memref<1x64xf32, #tpu.memory_space<hbm>>) target(%dma_start3A_153 : memref<1x64xf32, #tpu.memory_space<vmem>>) target_semaphore(%arg7 : memref<!tpu.dma_semaphore, #tpu.memory_space<semaphore_mem>>)
      %slice3A_156 = vector.extract_strided_slice %get3A_18 {offsets = [10], sizes = [1], strides = [1]} : vector<16xi32> to vector<1xi32>
      %squeeze3A_157 = vector.extract %slice3A_156[0] : i32 from vector<1xi32>
      %mul3A_158 = arith.constant 16 : i32
      %mul3A_159 = arith.muli %add3A_14, %mul3A_158 : i32
      %add3A_160 = arith.constant 10 : i32
      %add3A_161 = arith.addi %mul3A_159, %add3A_160 : i32
      %dma_start3A_162 = arith.constant 0 : i32
      %dma_start3A_163 = tpu.memref_slice %arg6[%add3A_161, %dma_start3A_162] : memref<128x64xf32, #tpu.memory_space<vmem>> -> memref<1x64xf32, #tpu.memory_space<vmem>>
      %dma_start3A_164 = arith.constant 0 : i32
      %dma_start3A_165 = tpu.memref_slice %arg3[%squeeze3A_157, %dma_start3A_164] : memref<1000000x64xf32, #tpu.memory_space<hbm>> -> memref<1x64xf32, #tpu.memory_space<hbm>>
      %dma_start3A_166 = arith.constant 0 : i32
      %dma_start3A_167 = tpu.memref_slice %arg6[%add3A_161, %dma_start3A_166] : memref<128x64xf32, #tpu.memory_space<vmem>> -> memref<1x64xf32, #tpu.memory_space<vmem>>
      %dma_start3A_168 = arith.constant 0 : i32
      %dma_start3A_169 = tpu.memref_slice %arg3[%squeeze3A_157, %dma_start3A_168] : memref<1000000x64xf32, #tpu.memory_space<hbm>> -> memref<1x64xf32, #tpu.memory_space<hbm>>
      tpu.enqueue_dma source(%dma_start3A_169 : memref<1x64xf32, #tpu.memory_space<hbm>>) target(%dma_start3A_167 : memref<1x64xf32, #tpu.memory_space<vmem>>) target_semaphore(%arg7 : memref<!tpu.dma_semaphore, #tpu.memory_space<semaphore_mem>>)
      %slice3A_170 = vector.extract_strided_slice %get3A_18 {offsets = [11], sizes = [1], strides = [1]} : vector<16xi32> to vector<1xi32>
      %squeeze3A_171 = vector.extract %slice3A_170[0] : i32 from vector<1xi32>
      %mul3A_172 = arith.constant 16 : i32
      %mul3A_173 = arith.muli %add3A_14, %mul3A_172 : i32
      %add3A_174 = arith.constant 11 : i32
      %add3A_175 = arith.addi %mul3A_173, %add3A_174 : i32
      %dma_start3A_176 = arith.constant 0 : i32
      %dma_start3A_177 = tpu.memref_slice %arg6[%add3A_175, %dma_start3A_176] : memref<128x64xf32, #tpu.memory_space<vmem>> -> memref<1x64xf32, #tpu.memory_space<vmem>>
      %dma_start3A_178 = arith.constant 0 : i32
      %dma_start3A_179 = tpu.memref_slice %arg3[%squeeze3A_171, %dma_start3A_178] : memref<1000000x64xf32, #tpu.memory_space<hbm>> -> memref<1x64xf32, #tpu.memory_space<hbm>>
      %dma_start3A_180 = arith.constant 0 : i32
      %dma_start3A_181 = tpu.memref_slice %arg6[%add3A_175, %dma_start3A_180] : memref<128x64xf32, #tpu.memory_space<vmem>> -> memref<1x64xf32, #tpu.memory_space<vmem>>
      %dma_start3A_182 = arith.constant 0 : i32
      %dma_start3A_183 = tpu.memref_slice %arg3[%squeeze3A_171, %dma_start3A_182] : memref<1000000x64xf32, #tpu.memory_space<hbm>> -> memref<1x64xf32, #tpu.memory_space<hbm>>
      tpu.enqueue_dma source(%dma_start3A_183 : memref<1x64xf32, #tpu.memory_space<hbm>>) target(%dma_start3A_181 : memref<1x64xf32, #tpu.memory_space<vmem>>) target_semaphore(%arg7 : memref<!tpu.dma_semaphore, #tpu.memory_space<semaphore_mem>>)
      %slice3A_184 = vector.extract_strided_slice %get3A_18 {offsets = [12], sizes = [1], strides = [1]} : vector<16xi32> to vector<1xi32>
      %squeeze3A_185 = vector.extract %slice3A_184[0] : i32 from vector<1xi32>
      %mul3A_186 = arith.constant 16 : i32
      %mul3A_187 = arith.muli %add3A_14, %mul3A_186 : i32
      %add3A_188 = arith.constant 12 : i32
      %add3A_189 = arith.addi %mul3A_187, %add3A_188 : i32
      %dma_start3A_190 = arith.constant 0 : i32
      %dma_start3A_191 = tpu.memref_slice %arg6[%add3A_189, %dma_start3A_190] : memref<128x64xf32, #tpu.memory_space<vmem>> -> memref<1x64xf32, #tpu.memory_space<vmem>>
      %dma_start3A_192 = arith.constant 0 : i32
      %dma_start3A_193 = tpu.memref_slice %arg3[%squeeze3A_185, %dma_start3A_192] : memref<1000000x64xf32, #tpu.memory_space<hbm>> -> memref<1x64xf32, #tpu.memory_space<hbm>>
      %dma_start3A_194 = arith.constant 0 : i32
      %dma_start3A_195 = tpu.memref_slice %arg6[%add3A_189, %dma_start3A_194] : memref<128x64xf32, #tpu.memory_space<vmem>> -> memref<1x64xf32, #tpu.memory_space<vmem>>
      %dma_start3A_196 = arith.constant 0 : i32
      %dma_start3A_197 = tpu.memref_slice %arg3[%squeeze3A_185, %dma_start3A_196] : memref<1000000x64xf32, #tpu.memory_space<hbm>> -> memref<1x64xf32, #tpu.memory_space<hbm>>
      tpu.enqueue_dma source(%dma_start3A_197 : memref<1x64xf32, #tpu.memory_space<hbm>>) target(%dma_start3A_195 : memref<1x64xf32, #tpu.memory_space<vmem>>) target_semaphore(%arg7 : memref<!tpu.dma_semaphore, #tpu.memory_space<semaphore_mem>>)
      %slice3A_198 = vector.extract_strided_slice %get3A_18 {offsets = [13], sizes = [1], strides = [1]} : vector<16xi32> to vector<1xi32>
      %squeeze3A_199 = vector.extract %slice3A_198[0] : i32 from vector<1xi32>
      %mul3A_200 = arith.constant 16 : i32
      %mul3A_201 = arith.muli %add3A_14, %mul3A_200 : i32
      %add3A_202 = arith.constant 13 : i32
      %add3A_203 = arith.addi %mul3A_201, %add3A_202 : i32
      %dma_start3A_204 = arith.constant 0 : i32
      %dma_start3A_205 = tpu.memref_slice %arg6[%add3A_203, %dma_start3A_204] : memref<128x64xf32, #tpu.memory_space<vmem>> -> memref<1x64xf32, #tpu.memory_space<vmem>>
      %dma_start3A_206 = arith.constant 0 : i32
      %dma_start3A_207 = tpu.memref_slice %arg3[%squeeze3A_199, %dma_start3A_206] : memref<1000000x64xf32, #tpu.memory_space<hbm>> -> memref<1x64xf32, #tpu.memory_space<hbm>>
      %dma_start3A_208 = arith.constant 0 : i32
      %dma_start3A_209 = tpu.memref_slice %arg6[%add3A_203, %dma_start3A_208] : memref<128x64xf32, #tpu.memory_space<vmem>> -> memref<1x64xf32, #tpu.memory_space<vmem>>
      %dma_start3A_210 = arith.constant 0 : i32
      %dma_start3A_211 = tpu.memref_slice %arg3[%squeeze3A_199, %dma_start3A_210] : memref<1000000x64xf32, #tpu.memory_space<hbm>> -> memref<1x64xf32, #tpu.memory_space<hbm>>
      tpu.enqueue_dma source(%dma_start3A_211 : memref<1x64xf32, #tpu.memory_space<hbm>>) target(%dma_start3A_209 : memref<1x64xf32, #tpu.memory_space<vmem>>) target_semaphore(%arg7 : memref<!tpu.dma_semaphore, #tpu.memory_space<semaphore_mem>>)
      %slice3A_212 = vector.extract_strided_slice %get3A_18 {offsets = [14], sizes = [1], strides = [1]} : vector<16xi32> to vector<1xi32>
      %squeeze3A_213 = vector.extract %slice3A_212[0] : i32 from vector<1xi32>
      %mul3A_214 = arith.constant 16 : i32
      %mul3A_215 = arith.muli %add3A_14, %mul3A_214 : i32
      %add3A_216 = arith.constant 14 : i32
      %add3A_217 = arith.addi %mul3A_215, %add3A_216 : i32
      %dma_start3A_218 = arith.constant 0 : i32
      %dma_start3A_219 = tpu.memref_slice %arg6[%add3A_217, %dma_start3A_218] : memref<128x64xf32, #tpu.memory_space<vmem>> -> memref<1x64xf32, #tpu.memory_space<vmem>>
      %dma_start3A_220 = arith.constant 0 : i32
      %dma_start3A_221 = tpu.memref_slice %arg3[%squeeze3A_213, %dma_start3A_220] : memref<1000000x64xf32, #tpu.memory_space<hbm>> -> memref<1x64xf32, #tpu.memory_space<hbm>>
      %dma_start3A_222 = arith.constant 0 : i32
      %dma_start3A_223 = tpu.memref_slice %arg6[%add3A_217, %dma_start3A_222] : memref<128x64xf32, #tpu.memory_space<vmem>> -> memref<1x64xf32, #tpu.memory_space<vmem>>
      %dma_start3A_224 = arith.constant 0 : i32
      %dma_start3A_225 = tpu.memref_slice %arg3[%squeeze3A_213, %dma_start3A_224] : memref<1000000x64xf32, #tpu.memory_space<hbm>> -> memref<1x64xf32, #tpu.memory_space<hbm>>
      tpu.enqueue_dma source(%dma_start3A_225 : memref<1x64xf32, #tpu.memory_space<hbm>>) target(%dma_start3A_223 : memref<1x64xf32, #tpu.memory_space<vmem>>) target_semaphore(%arg7 : memref<!tpu.dma_semaphore, #tpu.memory_space<semaphore_mem>>)
      %slice3A_226 = vector.extract_strided_slice %get3A_18 {offsets = [15], sizes = [1], strides = [1]} : vector<16xi32> to vector<1xi32>
      %squeeze3A_227 = vector.extract %slice3A_226[0] : i32 from vector<1xi32>
      %mul3A_228 = arith.constant 16 : i32
      %mul3A_229 = arith.muli %add3A_14, %mul3A_228 : i32
      %add3A_230 = arith.constant 15 : i32
      %add3A_231 = arith.addi %mul3A_229, %add3A_230 : i32
      %dma_start3A_232 = arith.constant 0 : i32
      %dma_start3A_233 = tpu.memref_slice %arg6[%add3A_231, %dma_start3A_232] : memref<128x64xf32, #tpu.memory_space<vmem>> -> memref<1x64xf32, #tpu.memory_space<vmem>>
      %dma_start3A_234 = arith.constant 0 : i32
      %dma_start3A_235 = tpu.memref_slice %arg3[%squeeze3A_227, %dma_start3A_234] : memref<1000000x64xf32, #tpu.memory_space<hbm>> -> memref<1x64xf32, #tpu.memory_space<hbm>>
      %dma_start3A_236 = arith.constant 0 : i32
      %dma_start3A_237 = tpu.memref_slice %arg6[%add3A_231, %dma_start3A_236] : memref<128x64xf32, #tpu.memory_space<vmem>> -> memref<1x64xf32, #tpu.memory_space<vmem>>
      %dma_start3A_238 = arith.constant 0 : i32
      %dma_start3A_239 = tpu.memref_slice %arg3[%squeeze3A_227, %dma_start3A_238] : memref<1000000x64xf32, #tpu.memory_space<hbm>> -> memref<1x64xf32, #tpu.memory_space<hbm>>
      tpu.enqueue_dma source(%dma_start3A_239 : memref<1x64xf32, #tpu.memory_space<hbm>>) target(%dma_start3A_237 : memref<1x64xf32, #tpu.memory_space<vmem>>) target_semaphore(%arg7 : memref<!tpu.dma_semaphore, #tpu.memory_space<semaphore_mem>>)
    }
    %scan3A_6 = arith.constant 8 : i32
    %dma_wait3A = arith.constant 0 : i32
    %dma_wait3A_7 = tpu.memref_slice %arg4[%mul3A_2, %dma_wait3A] : memref<4096x64xf32, #tpu.memory_space<hbm>> -> memref<128x64xf32, #tpu.memory_space<hbm>>
    %dma_wait3A_8 = arith.constant 0 : i32
    %dma_wait3A_9 = tpu.memref_slice %arg4[%mul3A_2, %dma_wait3A_8] : memref<4096x64xf32, #tpu.memory_space<hbm>> -> memref<128x64xf32, #tpu.memory_space<hbm>>
    tpu.wait_dma2 semaphore(%arg7 : memref<!tpu.dma_semaphore, #tpu.memory_space<semaphore_mem>>) src(%dma_wait3A_9 : memref<128x64xf32, #tpu.memory_space<hbm>>) dst(%arg6 : memref<128x64xf32, #tpu.memory_space<vmem>>)
    "tpu.region"() ({
      %run_scoped3A = tpu.sem_alloc : memref<!tpu.dma_semaphore, #tpu.memory_space<semaphore_mem>>
      %dma_start3A = arith.constant 0 : i32
      %dma_start3A_10 = tpu.memref_slice %arg4[%mul3A_2, %dma_start3A] : memref<4096x64xf32, #tpu.memory_space<hbm>> -> memref<128x64xf32, #tpu.memory_space<hbm>>
      %dma_start3A_11 = arith.constant 0 : i32
      %dma_start3A_12 = tpu.memref_slice %arg4[%mul3A_2, %dma_start3A_11] : memref<4096x64xf32, #tpu.memory_space<hbm>> -> memref<128x64xf32, #tpu.memory_space<hbm>>
      tpu.enqueue_dma source(%arg6 : memref<128x64xf32, #tpu.memory_space<vmem>>) target(%dma_start3A_12 : memref<128x64xf32, #tpu.memory_space<hbm>>) target_semaphore(%run_scoped3A : memref<!tpu.dma_semaphore, #tpu.memory_space<semaphore_mem>>)
      %dma_wait3A_13 = arith.constant 0 : i32
      %dma_wait3A_14 = tpu.memref_slice %arg4[%mul3A_2, %dma_wait3A_13] : memref<4096x64xf32, #tpu.memory_space<hbm>> -> memref<128x64xf32, #tpu.memory_space<hbm>>
      %dma_wait3A_15 = arith.constant 0 : i32
      %dma_wait3A_16 = tpu.memref_slice %arg4[%mul3A_2, %dma_wait3A_15] : memref<4096x64xf32, #tpu.memory_space<hbm>> -> memref<128x64xf32, #tpu.memory_space<hbm>>
      tpu.wait_dma2 semaphore(%run_scoped3A : memref<!tpu.dma_semaphore, #tpu.memory_space<semaphore_mem>>) src(%arg6 : memref<128x64xf32, #tpu.memory_space<vmem>>) dst(%dma_wait3A_16 : memref<128x64xf32, #tpu.memory_space<hbm>>)
      tpu.yield
    }) : () -> ()
    return
  }
}

#map = affine_map<(d0, d1) -> (0)>
#map1 = affine_map<(d0, d1) -> (0, 0)>
module attributes {stable_mosaic.version = 14 : i64} {
  func.func @gather_k(%arg0: i32, %arg1: i32, %arg2: memref<4096xi32, #tpu.memory_space<hbm>>, %arg3: memref<4096xi32, #tpu.memory_space<hbm>>, %arg4: memref<4096xi32, #tpu.memory_space<hbm>>, %arg5: memref<1000x64xf32, #tpu.memory_space<hbm>>, %arg6: memref<10x64xf32, #tpu.memory_space<hbm>>, %arg7: memref<100000x64xf32, #tpu.memory_space<hbm>>, %arg8: memref<4096x64xf32, #tpu.memory_space<hbm>>, %arg9: memref<4096x64xf32, #tpu.memory_space<hbm>>, %arg10: memref<4096x64xf32, #tpu.memory_space<hbm>>, %arg11: memref<128xi32, #tpu.memory_space<vmem>>, %arg12: memref<128xi32, #tpu.memory_space<vmem>>, %arg13: memref<128xi32, #tpu.memory_space<vmem>>, %arg14: memref<128x64xf32, #tpu.memory_space<vmem>>, %arg15: memref<128x64xf32, #tpu.memory_space<vmem>>, %arg16: memref<128x64xf32, #tpu.memory_space<vmem>>, %arg17: memref<!tpu.dma_semaphore, #tpu.memory_space<semaphore_mem>>) attributes {dimension_semantics = [#tpu.dimension_semantics<core_parallel>, #tpu.dimension_semantics<subcore_parallel>], iteration_bounds = array<i64: 2, 16>, scalar_prefetch = 0 : i64, scratch_operands = 7 : i64, tpu.core_type = #tpu.core_type<sc_vector_subcore>, window_params = [{transform_indices = #map}, {transform_indices = #map}, {transform_indices = #map}, {transform_indices = #map1}, {transform_indices = #map1}, {transform_indices = #map1}, {transform_indices = #map1}, {transform_indices = #map1}, {transform_indices = #map1}]} {
    %mul3A = arith.constant 2 : i32
    %mul3A_0 = arith.muli %arg1, %mul3A : i32
    %add3A = arith.addi %mul3A_0, %arg0 : i32
    %mul3A_1 = arith.constant 128 : i32
    %mul3A_2 = arith.muli %add3A, %mul3A_1 : i32
    "tpu.region"() ({
      %run_scoped3A = tpu.sem_alloc : memref<!tpu.dma_semaphore, #tpu.memory_space<semaphore_mem>>
      %dma_start3A = tpu.memref_slice %arg2[%mul3A_2] : memref<4096xi32, #tpu.memory_space<hbm>> -> memref<128xi32, #tpu.memory_space<hbm>>
      %dma_start3A_28 = tpu.memref_slice %arg2[%mul3A_2] : memref<4096xi32, #tpu.memory_space<hbm>> -> memref<128xi32, #tpu.memory_space<hbm>>
      tpu.enqueue_dma source(%dma_start3A_28 : memref<128xi32, #tpu.memory_space<hbm>>) target(%arg11 : memref<128xi32, #tpu.memory_space<vmem>>) target_semaphore(%run_scoped3A : memref<!tpu.dma_semaphore, #tpu.memory_space<semaphore_mem>>)
      %dma_wait3A_29 = tpu.memref_slice %arg2[%mul3A_2] : memref<4096xi32, #tpu.memory_space<hbm>> -> memref<128xi32, #tpu.memory_space<hbm>>
      %dma_wait3A_30 = tpu.memref_slice %arg2[%mul3A_2] : memref<4096xi32, #tpu.memory_space<hbm>> -> memref<128xi32, #tpu.memory_space<hbm>>
      tpu.wait_dma2 semaphore(%run_scoped3A : memref<!tpu.dma_semaphore, #tpu.memory_space<semaphore_mem>>) src(%dma_wait3A_30 : memref<128xi32, #tpu.memory_space<hbm>>) dst(%arg11 : memref<128xi32, #tpu.memory_space<vmem>>)
      tpu.yield
    }) : () -> ()
    "tpu.region"() ({
      %run_scoped3A = tpu.sem_alloc : memref<!tpu.dma_semaphore, #tpu.memory_space<semaphore_mem>>
      %dma_start3A = tpu.memref_slice %arg3[%mul3A_2] : memref<4096xi32, #tpu.memory_space<hbm>> -> memref<128xi32, #tpu.memory_space<hbm>>
      %dma_start3A_28 = tpu.memref_slice %arg3[%mul3A_2] : memref<4096xi32, #tpu.memory_space<hbm>> -> memref<128xi32, #tpu.memory_space<hbm>>
      tpu.enqueue_dma source(%dma_start3A_28 : memref<128xi32, #tpu.memory_space<hbm>>) target(%arg12 : memref<128xi32, #tpu.memory_space<vmem>>) target_semaphore(%run_scoped3A : memref<!tpu.dma_semaphore, #tpu.memory_space<semaphore_mem>>)
      %dma_wait3A_29 = tpu.memref_slice %arg3[%mul3A_2] : memref<4096xi32, #tpu.memory_space<hbm>> -> memref<128xi32, #tpu.memory_space<hbm>>
      %dma_wait3A_30 = tpu.memref_slice %arg3[%mul3A_2] : memref<4096xi32, #tpu.memory_space<hbm>> -> memref<128xi32, #tpu.memory_space<hbm>>
      tpu.wait_dma2 semaphore(%run_scoped3A : memref<!tpu.dma_semaphore, #tpu.memory_space<semaphore_mem>>) src(%dma_wait3A_30 : memref<128xi32, #tpu.memory_space<hbm>>) dst(%arg12 : memref<128xi32, #tpu.memory_space<vmem>>)
      tpu.yield
    }) : () -> ()
    "tpu.region"() ({
      %run_scoped3A = tpu.sem_alloc : memref<!tpu.dma_semaphore, #tpu.memory_space<semaphore_mem>>
      %dma_start3A = tpu.memref_slice %arg4[%mul3A_2] : memref<4096xi32, #tpu.memory_space<hbm>> -> memref<128xi32, #tpu.memory_space<hbm>>
      %dma_start3A_28 = tpu.memref_slice %arg4[%mul3A_2] : memref<4096xi32, #tpu.memory_space<hbm>> -> memref<128xi32, #tpu.memory_space<hbm>>
      tpu.enqueue_dma source(%dma_start3A_28 : memref<128xi32, #tpu.memory_space<hbm>>) target(%arg13 : memref<128xi32, #tpu.memory_space<vmem>>) target_semaphore(%run_scoped3A : memref<!tpu.dma_semaphore, #tpu.memory_space<semaphore_mem>>)
      %dma_wait3A_29 = tpu.memref_slice %arg4[%mul3A_2] : memref<4096xi32, #tpu.memory_space<hbm>> -> memref<128xi32, #tpu.memory_space<hbm>>
      %dma_wait3A_30 = tpu.memref_slice %arg4[%mul3A_2] : memref<4096xi32, #tpu.memory_space<hbm>> -> memref<128xi32, #tpu.memory_space<hbm>>
      tpu.wait_dma2 semaphore(%run_scoped3A : memref<!tpu.dma_semaphore, #tpu.memory_space<semaphore_mem>>) src(%dma_wait3A_30 : memref<128xi32, #tpu.memory_space<hbm>>) dst(%arg13 : memref<128xi32, #tpu.memory_space<vmem>>)
      tpu.yield
    }) : () -> ()
    %scan3A = arith.constant 0 : i32
    %scan3A_3 = arith.constant 8 : i32
    %scan3A_4 = arith.addi %scan3A, %scan3A_3 : i32
    %scan3A_5 = arith.constant 1 : i32
    scf.for %scan3A_28 = %scan3A to %scan3A_4 step %scan3A_5  : i32 {
      %mul3A_29 = arith.constant 1 : i32
      %mul3A_30 = arith.muli %scan3A_28, %mul3A_29 : i32
      %add3A_31 = arith.constant 0 : i32
      %add3A_32 = arith.addi %add3A_31, %mul3A_30 : i32
      %mul3A_33 = arith.constant 16 : i32
      %mul3A_34 = arith.muli %add3A_32, %mul3A_33 : i32
      %get3A = arith.index_cast %mul3A_34 : i32 to index
      %get3A_35 = tpu.vector_load %arg11[%get3A] {strides = array<i32>} : memref<128xi32, #tpu.memory_space<vmem>>, vector<16xi32>,
      %get3A_36 = vector.shape_cast %get3A_35 : vector<16xi32> to vector<16xi32>
      %slice3A = vector.extract_strided_slice %get3A_36 {offsets = [0], sizes = [1], strides = [1]} : vector<16xi32> to vector<1xi32>
      %squeeze3A = vector.extract %slice3A[0] : i32 from vector<1xi32>
      %mul3A_37 = arith.constant 16 : i32
      %mul3A_38 = arith.muli %add3A_32, %mul3A_37 : i32
      %add3A_39 = arith.constant 0 : i32
      %add3A_40 = arith.addi %mul3A_38, %add3A_39 : i32
      %dma_start3A = arith.constant 0 : i32
      %dma_start3A_41 = tpu.memref_slice %arg14[%add3A_40, %dma_start3A] : memref<128x64xf32, #tpu.memory_space<vmem>> -> memref<1x64xf32, #tpu.memory_space<vmem>>
      %dma_start3A_42 = arith.constant 0 : i32
      %dma_start3A_43 = tpu.memref_slice %arg5[%squeeze3A, %dma_start3A_42] : memref<1000x64xf32, #tpu.memory_space<hbm>> -> memref<1x64xf32, #tpu.memory_space<hbm>>
      %dma_start3A_44 = arith.constant 0 : i32
      %dma_start3A_45 = tpu.memref_slice %arg14[%add3A_40, %dma_start3A_44] : memref<128x64xf32, #tpu.memory_space<vmem>> -> memref<1x64xf32, #tpu.memory_space<vmem>>
      %dma_start3A_46 = arith.constant 0 : i32
      %dma_start3A_47 = tpu.memref_slice %arg5[%squeeze3A, %dma_start3A_46] : memref<1000x64xf32, #tpu.memory_space<hbm>> -> memref<1x64xf32, #tpu.memory_space<hbm>>
      tpu.enqueue_dma source(%dma_start3A_47 : memref<1x64xf32, #tpu.memory_space<hbm>>) target(%dma_start3A_45 : memref<1x64xf32, #tpu.memory_space<vmem>>) target_semaphore(%arg17 : memref<!tpu.dma_semaphore, #tpu.memory_space<semaphore_mem>>)
      %slice3A_48 = vector.extract_strided_slice %get3A_36 {offsets = [1], sizes = [1], strides = [1]} : vector<16xi32> to vector<1xi32>
      %squeeze3A_49 = vector.extract %slice3A_48[0] : i32 from vector<1xi32>
      %mul3A_50 = arith.constant 16 : i32
      %mul3A_51 = arith.muli %add3A_32, %mul3A_50 : i32
      %add3A_52 = arith.constant 1 : i32
      %add3A_53 = arith.addi %mul3A_51, %add3A_52 : i32
      %dma_start3A_54 = arith.constant 0 : i32
      %dma_start3A_55 = tpu.memref_slice %arg14[%add3A_53, %dma_start3A_54] : memref<128x64xf32, #tpu.memory_space<vmem>> -> memref<1x64xf32, #tpu.memory_space<vmem>>
      %dma_start3A_56 = arith.constant 0 : i32
      %dma_start3A_57 = tpu.memref_slice %arg5[%squeeze3A_49, %dma_start3A_56] : memref<1000x64xf32, #tpu.memory_space<hbm>> -> memref<1x64xf32, #tpu.memory_space<hbm>>
      %dma_start3A_58 = arith.constant 0 : i32
      %dma_start3A_59 = tpu.memref_slice %arg14[%add3A_53, %dma_start3A_58] : memref<128x64xf32, #tpu.memory_space<vmem>> -> memref<1x64xf32, #tpu.memory_space<vmem>>
      %dma_start3A_60 = arith.constant 0 : i32
      %dma_start3A_61 = tpu.memref_slice %arg5[%squeeze3A_49, %dma_start3A_60] : memref<1000x64xf32, #tpu.memory_space<hbm>> -> memref<1x64xf32, #tpu.memory_space<hbm>>
      tpu.enqueue_dma source(%dma_start3A_61 : memref<1x64xf32, #tpu.memory_space<hbm>>) target(%dma_start3A_59 : memref<1x64xf32, #tpu.memory_space<vmem>>) target_semaphore(%arg17 : memref<!tpu.dma_semaphore, #tpu.memory_space<semaphore_mem>>)
      %slice3A_62 = vector.extract_strided_slice %get3A_36 {offsets = [2], sizes = [1], strides = [1]} : vector<16xi32> to vector<1xi32>
      %squeeze3A_63 = vector.extract %slice3A_62[0] : i32 from vector<1xi32>
      %mul3A_64 = arith.constant 16 : i32
      %mul3A_65 = arith.muli %add3A_32, %mul3A_64 : i32
      %add3A_66 = arith.constant 2 : i32
      %add3A_67 = arith.addi %mul3A_65, %add3A_66 : i32
      %dma_start3A_68 = arith.constant 0 : i32
      %dma_start3A_69 = tpu.memref_slice %arg14[%add3A_67, %dma_start3A_68] : memref<128x64xf32, #tpu.memory_space<vmem>> -> memref<1x64xf32, #tpu.memory_space<vmem>>
      %dma_start3A_70 = arith.constant 0 : i32
      %dma_start3A_71 = tpu.memref_slice %arg5[%squeeze3A_63, %dma_start3A_70] : memref<1000x64xf32, #tpu.memory_space<hbm>> -> memref<1x64xf32, #tpu.memory_space<hbm>>
      %dma_start3A_72 = arith.constant 0 : i32
      %dma_start3A_73 = tpu.memref_slice %arg14[%add3A_67, %dma_start3A_72] : memref<128x64xf32, #tpu.memory_space<vmem>> -> memref<1x64xf32, #tpu.memory_space<vmem>>
      %dma_start3A_74 = arith.constant 0 : i32
      %dma_start3A_75 = tpu.memref_slice %arg5[%squeeze3A_63, %dma_start3A_74] : memref<1000x64xf32, #tpu.memory_space<hbm>> -> memref<1x64xf32, #tpu.memory_space<hbm>>
      tpu.enqueue_dma source(%dma_start3A_75 : memref<1x64xf32, #tpu.memory_space<hbm>>) target(%dma_start3A_73 : memref<1x64xf32, #tpu.memory_space<vmem>>) target_semaphore(%arg17 : memref<!tpu.dma_semaphore, #tpu.memory_space<semaphore_mem>>)
      %slice3A_76 = vector.extract_strided_slice %get3A_36 {offsets = [3], sizes = [1], strides = [1]} : vector<16xi32> to vector<1xi32>
      %squeeze3A_77 = vector.extract %slice3A_76[0] : i32 from vector<1xi32>
      %mul3A_78 = arith.constant 16 : i32
      %mul3A_79 = arith.muli %add3A_32, %mul3A_78 : i32
      %add3A_80 = arith.constant 3 : i32
      %add3A_81 = arith.addi %mul3A_79, %add3A_80 : i32
      %dma_start3A_82 = arith.constant 0 : i32
      %dma_start3A_83 = tpu.memref_slice %arg14[%add3A_81, %dma_start3A_82] : memref<128x64xf32, #tpu.memory_space<vmem>> -> memref<1x64xf32, #tpu.memory_space<vmem>>
      %dma_start3A_84 = arith.constant 0 : i32
      %dma_start3A_85 = tpu.memref_slice %arg5[%squeeze3A_77, %dma_start3A_84] : memref<1000x64xf32, #tpu.memory_space<hbm>> -> memref<1x64xf32, #tpu.memory_space<hbm>>
      %dma_start3A_86 = arith.constant 0 : i32
      %dma_start3A_87 = tpu.memref_slice %arg14[%add3A_81, %dma_start3A_86] : memref<128x64xf32, #tpu.memory_space<vmem>> -> memref<1x64xf32, #tpu.memory_space<vmem>>
      %dma_start3A_88 = arith.constant 0 : i32
      %dma_start3A_89 = tpu.memref_slice %arg5[%squeeze3A_77, %dma_start3A_88] : memref<1000x64xf32, #tpu.memory_space<hbm>> -> memref<1x64xf32, #tpu.memory_space<hbm>>
      tpu.enqueue_dma source(%dma_start3A_89 : memref<1x64xf32, #tpu.memory_space<hbm>>) target(%dma_start3A_87 : memref<1x64xf32, #tpu.memory_space<vmem>>) target_semaphore(%arg17 : memref<!tpu.dma_semaphore, #tpu.memory_space<semaphore_mem>>)
      %slice3A_90 = vector.extract_strided_slice %get3A_36 {offsets = [4], sizes = [1], strides = [1]} : vector<16xi32> to vector<1xi32>
      %squeeze3A_91 = vector.extract %slice3A_90[0] : i32 from vector<1xi32>
      %mul3A_92 = arith.constant 16 : i32
      %mul3A_93 = arith.muli %add3A_32, %mul3A_92 : i32
      %add3A_94 = arith.constant 4 : i32
      %add3A_95 = arith.addi %mul3A_93, %add3A_94 : i32
      %dma_start3A_96 = arith.constant 0 : i32
      %dma_start3A_97 = tpu.memref_slice %arg14[%add3A_95, %dma_start3A_96] : memref<128x64xf32, #tpu.memory_space<vmem>> -> memref<1x64xf32, #tpu.memory_space<vmem>>
      %dma_start3A_98 = arith.constant 0 : i32
      %dma_start3A_99 = tpu.memref_slice %arg5[%squeeze3A_91, %dma_start3A_98] : memref<1000x64xf32, #tpu.memory_space<hbm>> -> memref<1x64xf32, #tpu.memory_space<hbm>>
      %dma_start3A_100 = arith.constant 0 : i32
      %dma_start3A_101 = tpu.memref_slice %arg14[%add3A_95, %dma_start3A_100] : memref<128x64xf32, #tpu.memory_space<vmem>> -> memref<1x64xf32, #tpu.memory_space<vmem>>
      %dma_start3A_102 = arith.constant 0 : i32
      %dma_start3A_103 = tpu.memref_slice %arg5[%squeeze3A_91, %dma_start3A_102] : memref<1000x64xf32, #tpu.memory_space<hbm>> -> memref<1x64xf32, #tpu.memory_space<hbm>>
      tpu.enqueue_dma source(%dma_start3A_103 : memref<1x64xf32, #tpu.memory_space<hbm>>) target(%dma_start3A_101 : memref<1x64xf32, #tpu.memory_space<vmem>>) target_semaphore(%arg17 : memref<!tpu.dma_semaphore, #tpu.memory_space<semaphore_mem>>)
      %slice3A_104 = vector.extract_strided_slice %get3A_36 {offsets = [5], sizes = [1], strides = [1]} : vector<16xi32> to vector<1xi32>
      %squeeze3A_105 = vector.extract %slice3A_104[0] : i32 from vector<1xi32>
      %mul3A_106 = arith.constant 16 : i32
      %mul3A_107 = arith.muli %add3A_32, %mul3A_106 : i32
      %add3A_108 = arith.constant 5 : i32
      %add3A_109 = arith.addi %mul3A_107, %add3A_108 : i32
      %dma_start3A_110 = arith.constant 0 : i32
      %dma_start3A_111 = tpu.memref_slice %arg14[%add3A_109, %dma_start3A_110] : memref<128x64xf32, #tpu.memory_space<vmem>> -> memref<1x64xf32, #tpu.memory_space<vmem>>
      %dma_start3A_112 = arith.constant 0 : i32
      %dma_start3A_113 = tpu.memref_slice %arg5[%squeeze3A_105, %dma_start3A_112] : memref<1000x64xf32, #tpu.memory_space<hbm>> -> memref<1x64xf32, #tpu.memory_space<hbm>>
      %dma_start3A_114 = arith.constant 0 : i32
      %dma_start3A_115 = tpu.memref_slice %arg14[%add3A_109, %dma_start3A_114] : memref<128x64xf32, #tpu.memory_space<vmem>> -> memref<1x64xf32, #tpu.memory_space<vmem>>
      %dma_start3A_116 = arith.constant 0 : i32
      %dma_start3A_117 = tpu.memref_slice %arg5[%squeeze3A_105, %dma_start3A_116] : memref<1000x64xf32, #tpu.memory_space<hbm>> -> memref<1x64xf32, #tpu.memory_space<hbm>>
      tpu.enqueue_dma source(%dma_start3A_117 : memref<1x64xf32, #tpu.memory_space<hbm>>) target(%dma_start3A_115 : memref<1x64xf32, #tpu.memory_space<vmem>>) target_semaphore(%arg17 : memref<!tpu.dma_semaphore, #tpu.memory_space<semaphore_mem>>)
      %slice3A_118 = vector.extract_strided_slice %get3A_36 {offsets = [6], sizes = [1], strides = [1]} : vector<16xi32> to vector<1xi32>
      %squeeze3A_119 = vector.extract %slice3A_118[0] : i32 from vector<1xi32>
      %mul3A_120 = arith.constant 16 : i32
      %mul3A_121 = arith.muli %add3A_32, %mul3A_120 : i32
      %add3A_122 = arith.constant 6 : i32
      %add3A_123 = arith.addi %mul3A_121, %add3A_122 : i32
      %dma_start3A_124 = arith.constant 0 : i32
      %dma_start3A_125 = tpu.memref_slice %arg14[%add3A_123, %dma_start3A_124] : memref<128x64xf32, #tpu.memory_space<vmem>> -> memref<1x64xf32, #tpu.memory_space<vmem>>
      %dma_start3A_126 = arith.constant 0 : i32
      %dma_start3A_127 = tpu.memref_slice %arg5[%squeeze3A_119, %dma_start3A_126] : memref<1000x64xf32, #tpu.memory_space<hbm>> -> memref<1x64xf32, #tpu.memory_space<hbm>>
      %dma_start3A_128 = arith.constant 0 : i32
      %dma_start3A_129 = tpu.memref_slice %arg14[%add3A_123, %dma_start3A_128] : memref<128x64xf32, #tpu.memory_space<vmem>> -> memref<1x64xf32, #tpu.memory_space<vmem>>
      %dma_start3A_130 = arith.constant 0 : i32
      %dma_start3A_131 = tpu.memref_slice %arg5[%squeeze3A_119, %dma_start3A_130] : memref<1000x64xf32, #tpu.memory_space<hbm>> -> memref<1x64xf32, #tpu.memory_space<hbm>>
      tpu.enqueue_dma source(%dma_start3A_131 : memref<1x64xf32, #tpu.memory_space<hbm>>) target(%dma_start3A_129 : memref<1x64xf32, #tpu.memory_space<vmem>>) target_semaphore(%arg17 : memref<!tpu.dma_semaphore, #tpu.memory_space<semaphore_mem>>)
      %slice3A_132 = vector.extract_strided_slice %get3A_36 {offsets = [7], sizes = [1], strides = [1]} : vector<16xi32> to vector<1xi32>
      %squeeze3A_133 = vector.extract %slice3A_132[0] : i32 from vector<1xi32>
      %mul3A_134 = arith.constant 16 : i32
      %mul3A_135 = arith.muli %add3A_32, %mul3A_134 : i32
      %add3A_136 = arith.constant 7 : i32
      %add3A_137 = arith.addi %mul3A_135, %add3A_136 : i32
      %dma_start3A_138 = arith.constant 0 : i32
      %dma_start3A_139 = tpu.memref_slice %arg14[%add3A_137, %dma_start3A_138] : memref<128x64xf32, #tpu.memory_space<vmem>> -> memref<1x64xf32, #tpu.memory_space<vmem>>
      %dma_start3A_140 = arith.constant 0 : i32
      %dma_start3A_141 = tpu.memref_slice %arg5[%squeeze3A_133, %dma_start3A_140] : memref<1000x64xf32, #tpu.memory_space<hbm>> -> memref<1x64xf32, #tpu.memory_space<hbm>>
      %dma_start3A_142 = arith.constant 0 : i32
      %dma_start3A_143 = tpu.memref_slice %arg14[%add3A_137, %dma_start3A_142] : memref<128x64xf32, #tpu.memory_space<vmem>> -> memref<1x64xf32, #tpu.memory_space<vmem>>
      %dma_start3A_144 = arith.constant 0 : i32
      %dma_start3A_145 = tpu.memref_slice %arg5[%squeeze3A_133, %dma_start3A_144] : memref<1000x64xf32, #tpu.memory_space<hbm>> -> memref<1x64xf32, #tpu.memory_space<hbm>>
      tpu.enqueue_dma source(%dma_start3A_145 : memref<1x64xf32, #tpu.memory_space<hbm>>) target(%dma_start3A_143 : memref<1x64xf32, #tpu.memory_space<vmem>>) target_semaphore(%arg17 : memref<!tpu.dma_semaphore, #tpu.memory_space<semaphore_mem>>)
      %slice3A_146 = vector.extract_strided_slice %get3A_36 {offsets = [8], sizes = [1], strides = [1]} : vector<16xi32> to vector<1xi32>
      %squeeze3A_147 = vector.extract %slice3A_146[0] : i32 from vector<1xi32>
      %mul3A_148 = arith.constant 16 : i32
      %mul3A_149 = arith.muli %add3A_32, %mul3A_148 : i32
      %add3A_150 = arith.constant 8 : i32
      %add3A_151 = arith.addi %mul3A_149, %add3A_150 : i32
      %dma_start3A_152 = arith.constant 0 : i32
      %dma_start3A_153 = tpu.memref_slice %arg14[%add3A_151, %dma_start3A_152] : memref<128x64xf32, #tpu.memory_space<vmem>> -> memref<1x64xf32, #tpu.memory_space<vmem>>
      %dma_start3A_154 = arith.constant 0 : i32
      %dma_start3A_155 = tpu.memref_slice %arg5[%squeeze3A_147, %dma_start3A_154] : memref<1000x64xf32, #tpu.memory_space<hbm>> -> memref<1x64xf32, #tpu.memory_space<hbm>>
      %dma_start3A_156 = arith.constant 0 : i32
      %dma_start3A_157 = tpu.memref_slice %arg14[%add3A_151, %dma_start3A_156] : memref<128x64xf32, #tpu.memory_space<vmem>> -> memref<1x64xf32, #tpu.memory_space<vmem>>
      %dma_start3A_158 = arith.constant 0 : i32
      %dma_start3A_159 = tpu.memref_slice %arg5[%squeeze3A_147, %dma_start3A_158] : memref<1000x64xf32, #tpu.memory_space<hbm>> -> memref<1x64xf32, #tpu.memory_space<hbm>>
      tpu.enqueue_dma source(%dma_start3A_159 : memref<1x64xf32, #tpu.memory_space<hbm>>) target(%dma_start3A_157 : memref<1x64xf32, #tpu.memory_space<vmem>>) target_semaphore(%arg17 : memref<!tpu.dma_semaphore, #tpu.memory_space<semaphore_mem>>)
      %slice3A_160 = vector.extract_strided_slice %get3A_36 {offsets = [9], sizes = [1], strides = [1]} : vector<16xi32> to vector<1xi32>
      %squeeze3A_161 = vector.extract %slice3A_160[0] : i32 from vector<1xi32>
      %mul3A_162 = arith.constant 16 : i32
      %mul3A_163 = arith.muli %add3A_32, %mul3A_162 : i32
      %add3A_164 = arith.constant 9 : i32
      %add3A_165 = arith.addi %mul3A_163, %add3A_164 : i32
      %dma_start3A_166 = arith.constant 0 : i32
      %dma_start3A_167 = tpu.memref_slice %arg14[%add3A_165, %dma_start3A_166] : memref<128x64xf32, #tpu.memory_space<vmem>> -> memref<1x64xf32, #tpu.memory_space<vmem>>
      %dma_start3A_168 = arith.constant 0 : i32
      %dma_start3A_169 = tpu.memref_slice %arg5[%squeeze3A_161, %dma_start3A_168] : memref<1000x64xf32, #tpu.memory_space<hbm>> -> memref<1x64xf32, #tpu.memory_space<hbm>>
      %dma_start3A_170 = arith.constant 0 : i32
      %dma_start3A_171 = tpu.memref_slice %arg14[%add3A_165, %dma_start3A_170] : memref<128x64xf32, #tpu.memory_space<vmem>> -> memref<1x64xf32, #tpu.memory_space<vmem>>
      %dma_start3A_172 = arith.constant 0 : i32
      %dma_start3A_173 = tpu.memref_slice %arg5[%squeeze3A_161, %dma_start3A_172] : memref<1000x64xf32, #tpu.memory_space<hbm>> -> memref<1x64xf32, #tpu.memory_space<hbm>>
      tpu.enqueue_dma source(%dma_start3A_173 : memref<1x64xf32, #tpu.memory_space<hbm>>) target(%dma_start3A_171 : memref<1x64xf32, #tpu.memory_space<vmem>>) target_semaphore(%arg17 : memref<!tpu.dma_semaphore, #tpu.memory_space<semaphore_mem>>)
      %slice3A_174 = vector.extract_strided_slice %get3A_36 {offsets = [10], sizes = [1], strides = [1]} : vector<16xi32> to vector<1xi32>
      %squeeze3A_175 = vector.extract %slice3A_174[0] : i32 from vector<1xi32>
      %mul3A_176 = arith.constant 16 : i32
      %mul3A_177 = arith.muli %add3A_32, %mul3A_176 : i32
      %add3A_178 = arith.constant 10 : i32
      %add3A_179 = arith.addi %mul3A_177, %add3A_178 : i32
      %dma_start3A_180 = arith.constant 0 : i32
      %dma_start3A_181 = tpu.memref_slice %arg14[%add3A_179, %dma_start3A_180] : memref<128x64xf32, #tpu.memory_space<vmem>> -> memref<1x64xf32, #tpu.memory_space<vmem>>
      %dma_start3A_182 = arith.constant 0 : i32
      %dma_start3A_183 = tpu.memref_slice %arg5[%squeeze3A_175, %dma_start3A_182] : memref<1000x64xf32, #tpu.memory_space<hbm>> -> memref<1x64xf32, #tpu.memory_space<hbm>>
      %dma_start3A_184 = arith.constant 0 : i32
      %dma_start3A_185 = tpu.memref_slice %arg14[%add3A_179, %dma_start3A_184] : memref<128x64xf32, #tpu.memory_space<vmem>> -> memref<1x64xf32, #tpu.memory_space<vmem>>
      %dma_start3A_186 = arith.constant 0 : i32
      %dma_start3A_187 = tpu.memref_slice %arg5[%squeeze3A_175, %dma_start3A_186] : memref<1000x64xf32, #tpu.memory_space<hbm>> -> memref<1x64xf32, #tpu.memory_space<hbm>>
      tpu.enqueue_dma source(%dma_start3A_187 : memref<1x64xf32, #tpu.memory_space<hbm>>) target(%dma_start3A_185 : memref<1x64xf32, #tpu.memory_space<vmem>>) target_semaphore(%arg17 : memref<!tpu.dma_semaphore, #tpu.memory_space<semaphore_mem>>)
      %slice3A_188 = vector.extract_strided_slice %get3A_36 {offsets = [11], sizes = [1], strides = [1]} : vector<16xi32> to vector<1xi32>
      %squeeze3A_189 = vector.extract %slice3A_188[0] : i32 from vector<1xi32>
      %mul3A_190 = arith.constant 16 : i32
      %mul3A_191 = arith.muli %add3A_32, %mul3A_190 : i32
      %add3A_192 = arith.constant 11 : i32
      %add3A_193 = arith.addi %mul3A_191, %add3A_192 : i32
      %dma_start3A_194 = arith.constant 0 : i32
      %dma_start3A_195 = tpu.memref_slice %arg14[%add3A_193, %dma_start3A_194] : memref<128x64xf32, #tpu.memory_space<vmem>> -> memref<1x64xf32, #tpu.memory_space<vmem>>
      %dma_start3A_196 = arith.constant 0 : i32
      %dma_start3A_197 = tpu.memref_slice %arg5[%squeeze3A_189, %dma_start3A_196] : memref<1000x64xf32, #tpu.memory_space<hbm>> -> memref<1x64xf32, #tpu.memory_space<hbm>>
      %dma_start3A_198 = arith.constant 0 : i32
      %dma_start3A_199 = tpu.memref_slice %arg14[%add3A_193, %dma_start3A_198] : memref<128x64xf32, #tpu.memory_space<vmem>> -> memref<1x64xf32, #tpu.memory_space<vmem>>
      %dma_start3A_200 = arith.constant 0 : i32
      %dma_start3A_201 = tpu.memref_slice %arg5[%squeeze3A_189, %dma_start3A_200] : memref<1000x64xf32, #tpu.memory_space<hbm>> -> memref<1x64xf32, #tpu.memory_space<hbm>>
      tpu.enqueue_dma source(%dma_start3A_201 : memref<1x64xf32, #tpu.memory_space<hbm>>) target(%dma_start3A_199 : memref<1x64xf32, #tpu.memory_space<vmem>>) target_semaphore(%arg17 : memref<!tpu.dma_semaphore, #tpu.memory_space<semaphore_mem>>)
      %slice3A_202 = vector.extract_strided_slice %get3A_36 {offsets = [12], sizes = [1], strides = [1]} : vector<16xi32> to vector<1xi32>
      %squeeze3A_203 = vector.extract %slice3A_202[0] : i32 from vector<1xi32>
      %mul3A_204 = arith.constant 16 : i32
      %mul3A_205 = arith.muli %add3A_32, %mul3A_204 : i32
      %add3A_206 = arith.constant 12 : i32
      %add3A_207 = arith.addi %mul3A_205, %add3A_206 : i32
      %dma_start3A_208 = arith.constant 0 : i32
      %dma_start3A_209 = tpu.memref_slice %arg14[%add3A_207, %dma_start3A_208] : memref<128x64xf32, #tpu.memory_space<vmem>> -> memref<1x64xf32, #tpu.memory_space<vmem>>
      %dma_start3A_210 = arith.constant 0 : i32
      %dma_start3A_211 = tpu.memref_slice %arg5[%squeeze3A_203, %dma_start3A_210] : memref<1000x64xf32, #tpu.memory_space<hbm>> -> memref<1x64xf32, #tpu.memory_space<hbm>>
      %dma_start3A_212 = arith.constant 0 : i32
      %dma_start3A_213 = tpu.memref_slice %arg14[%add3A_207, %dma_start3A_212] : memref<128x64xf32, #tpu.memory_space<vmem>> -> memref<1x64xf32, #tpu.memory_space<vmem>>
      %dma_start3A_214 = arith.constant 0 : i32
      %dma_start3A_215 = tpu.memref_slice %arg5[%squeeze3A_203, %dma_start3A_214] : memref<1000x64xf32, #tpu.memory_space<hbm>> -> memref<1x64xf32, #tpu.memory_space<hbm>>
      tpu.enqueue_dma source(%dma_start3A_215 : memref<1x64xf32, #tpu.memory_space<hbm>>) target(%dma_start3A_213 : memref<1x64xf32, #tpu.memory_space<vmem>>) target_semaphore(%arg17 : memref<!tpu.dma_semaphore, #tpu.memory_space<semaphore_mem>>)
      %slice3A_216 = vector.extract_strided_slice %get3A_36 {offsets = [13], sizes = [1], strides = [1]} : vector<16xi32> to vector<1xi32>
      %squeeze3A_217 = vector.extract %slice3A_216[0] : i32 from vector<1xi32>
      %mul3A_218 = arith.constant 16 : i32
      %mul3A_219 = arith.muli %add3A_32, %mul3A_218 : i32
      %add3A_220 = arith.constant 13 : i32
      %add3A_221 = arith.addi %mul3A_219, %add3A_220 : i32
      %dma_start3A_222 = arith.constant 0 : i32
      %dma_start3A_223 = tpu.memref_slice %arg14[%add3A_221, %dma_start3A_222] : memref<128x64xf32, #tpu.memory_space<vmem>> -> memref<1x64xf32, #tpu.memory_space<vmem>>
      %dma_start3A_224 = arith.constant 0 : i32
      %dma_start3A_225 = tpu.memref_slice %arg5[%squeeze3A_217, %dma_start3A_224] : memref<1000x64xf32, #tpu.memory_space<hbm>> -> memref<1x64xf32, #tpu.memory_space<hbm>>
      %dma_start3A_226 = arith.constant 0 : i32
      %dma_start3A_227 = tpu.memref_slice %arg14[%add3A_221, %dma_start3A_226] : memref<128x64xf32, #tpu.memory_space<vmem>> -> memref<1x64xf32, #tpu.memory_space<vmem>>
      %dma_start3A_228 = arith.constant 0 : i32
      %dma_start3A_229 = tpu.memref_slice %arg5[%squeeze3A_217, %dma_start3A_228] : memref<1000x64xf32, #tpu.memory_space<hbm>> -> memref<1x64xf32, #tpu.memory_space<hbm>>
      tpu.enqueue_dma source(%dma_start3A_229 : memref<1x64xf32, #tpu.memory_space<hbm>>) target(%dma_start3A_227 : memref<1x64xf32, #tpu.memory_space<vmem>>) target_semaphore(%arg17 : memref<!tpu.dma_semaphore, #tpu.memory_space<semaphore_mem>>)
      %slice3A_230 = vector.extract_strided_slice %get3A_36 {offsets = [14], sizes = [1], strides = [1]} : vector<16xi32> to vector<1xi32>
      %squeeze3A_231 = vector.extract %slice3A_230[0] : i32 from vector<1xi32>
      %mul3A_232 = arith.constant 16 : i32
      %mul3A_233 = arith.muli %add3A_32, %mul3A_232 : i32
      %add3A_234 = arith.constant 14 : i32
      %add3A_235 = arith.addi %mul3A_233, %add3A_234 : i32
      %dma_start3A_236 = arith.constant 0 : i32
      %dma_start3A_237 = tpu.memref_slice %arg14[%add3A_235, %dma_start3A_236] : memref<128x64xf32, #tpu.memory_space<vmem>> -> memref<1x64xf32, #tpu.memory_space<vmem>>
      %dma_start3A_238 = arith.constant 0 : i32
      %dma_start3A_239 = tpu.memref_slice %arg5[%squeeze3A_231, %dma_start3A_238] : memref<1000x64xf32, #tpu.memory_space<hbm>> -> memref<1x64xf32, #tpu.memory_space<hbm>>
      %dma_start3A_240 = arith.constant 0 : i32
      %dma_start3A_241 = tpu.memref_slice %arg14[%add3A_235, %dma_start3A_240] : memref<128x64xf32, #tpu.memory_space<vmem>> -> memref<1x64xf32, #tpu.memory_space<vmem>>
      %dma_start3A_242 = arith.constant 0 : i32
      %dma_start3A_243 = tpu.memref_slice %arg5[%squeeze3A_231, %dma_start3A_242] : memref<1000x64xf32, #tpu.memory_space<hbm>> -> memref<1x64xf32, #tpu.memory_space<hbm>>
      tpu.enqueue_dma source(%dma_start3A_243 : memref<1x64xf32, #tpu.memory_space<hbm>>) target(%dma_start3A_241 : memref<1x64xf32, #tpu.memory_space<vmem>>) target_semaphore(%arg17 : memref<!tpu.dma_semaphore, #tpu.memory_space<semaphore_mem>>)
      %slice3A_244 = vector.extract_strided_slice %get3A_36 {offsets = [15], sizes = [1], strides = [1]} : vector<16xi32> to vector<1xi32>
      %squeeze3A_245 = vector.extract %slice3A_244[0] : i32 from vector<1xi32>
      %mul3A_246 = arith.constant 16 : i32
      %mul3A_247 = arith.muli %add3A_32, %mul3A_246 : i32
      %add3A_248 = arith.constant 15 : i32
      %add3A_249 = arith.addi %mul3A_247, %add3A_248 : i32
      %dma_start3A_250 = arith.constant 0 : i32
      %dma_start3A_251 = tpu.memref_slice %arg14[%add3A_249, %dma_start3A_250] : memref<128x64xf32, #tpu.memory_space<vmem>> -> memref<1x64xf32, #tpu.memory_space<vmem>>
      %dma_start3A_252 = arith.constant 0 : i32
      %dma_start3A_253 = tpu.memref_slice %arg5[%squeeze3A_245, %dma_start3A_252] : memref<1000x64xf32, #tpu.memory_space<hbm>> -> memref<1x64xf32, #tpu.memory_space<hbm>>
      %dma_start3A_254 = arith.constant 0 : i32
      %dma_start3A_255 = tpu.memref_slice %arg14[%add3A_249, %dma_start3A_254] : memref<128x64xf32, #tpu.memory_space<vmem>> -> memref<1x64xf32, #tpu.memory_space<vmem>>
      %dma_start3A_256 = arith.constant 0 : i32
      %dma_start3A_257 = tpu.memref_slice %arg5[%squeeze3A_245, %dma_start3A_256] : memref<1000x64xf32, #tpu.memory_space<hbm>> -> memref<1x64xf32, #tpu.memory_space<hbm>>
      tpu.enqueue_dma source(%dma_start3A_257 : memref<1x64xf32, #tpu.memory_space<hbm>>) target(%dma_start3A_255 : memref<1x64xf32, #tpu.memory_space<vmem>>) target_semaphore(%arg17 : memref<!tpu.dma_semaphore, #tpu.memory_space<semaphore_mem>>)
    }
    %scan3A_6 = arith.constant 8 : i32
    %scan3A_7 = arith.constant 0 : i32
    %scan3A_8 = arith.constant 8 : i32
    %scan3A_9 = arith.addi %scan3A_7, %scan3A_8 : i32
    %scan3A_10 = arith.constant 1 : i32
    scf.for %scan3A_28 = %scan3A_7 to %scan3A_9 step %scan3A_10  : i32 {
      %mul3A_29 = arith.constant 1 : i32
      %mul3A_30 = arith.muli %scan3A_28, %mul3A_29 : i32
      %add3A_31 = arith.constant 0 : i32
      %add3A_32 = arith.addi %add3A_31, %mul3A_30 : i32
      %mul3A_33 = arith.constant 16 : i32
      %mul3A_34 = arith.muli %add3A_32, %mul3A_33 : i32
      %get3A = arith.index_cast %mul3A_34 : i32 to index
      %get3A_35 = tpu.vector_load %arg12[%get3A] {strides = array<i32>} : memref<128xi32, #tpu.memory_space<vmem>>, vector<16xi32>,
      %get3A_36 = vector.shape_cast %get3A_35 : vector<16xi32> to vector<16xi32>
      %slice3A = vector.extract_strided_slice %get3A_36 {offsets = [0], sizes = [1], strides = [1]} : vector<16xi32> to vector<1xi32>
      %squeeze3A = vector.extract %slice3A[0] : i32 from vector<1xi32>
      %mul3A_37 = arith.constant 16 : i32
      %mul3A_38 = arith.muli %add3A_32, %mul3A_37 : i32
      %add3A_39 = arith.constant 0 : i32
      %add3A_40 = arith.addi %mul3A_38, %add3A_39 : i32
      %dma_start3A = arith.constant 0 : i32
      %dma_start3A_41 = tpu.memref_slice %arg15[%add3A_40, %dma_start3A] : memref<128x64xf32, #tpu.memory_space<vmem>> -> memref<1x64xf32, #tpu.memory_space<vmem>>
      %dma_start3A_42 = arith.constant 0 : i32
      %dma_start3A_43 = tpu.memref_slice %arg6[%squeeze3A, %dma_start3A_42] : memref<10x64xf32, #tpu.memory_space<hbm>> -> memref<1x64xf32, #tpu.memory_space<hbm>>
      %dma_start3A_44 = arith.constant 0 : i32
      %dma_start3A_45 = tpu.memref_slice %arg15[%add3A_40, %dma_start3A_44] : memref<128x64xf32, #tpu.memory_space<vmem>> -> memref<1x64xf32, #tpu.memory_space<vmem>>
      %dma_start3A_46 = arith.constant 0 : i32
      %dma_start3A_47 = tpu.memref_slice %arg6[%squeeze3A, %dma_start3A_46] : memref<10x64xf32, #tpu.memory_space<hbm>> -> memref<1x64xf32, #tpu.memory_space<hbm>>
      tpu.enqueue_dma source(%dma_start3A_47 : memref<1x64xf32, #tpu.memory_space<hbm>>) target(%dma_start3A_45 : memref<1x64xf32, #tpu.memory_space<vmem>>) target_semaphore(%arg17 : memref<!tpu.dma_semaphore, #tpu.memory_space<semaphore_mem>>)
      %slice3A_48 = vector.extract_strided_slice %get3A_36 {offsets = [1], sizes = [1], strides = [1]} : vector<16xi32> to vector<1xi32>
      %squeeze3A_49 = vector.extract %slice3A_48[0] : i32 from vector<1xi32>
      %mul3A_50 = arith.constant 16 : i32
      %mul3A_51 = arith.muli %add3A_32, %mul3A_50 : i32
      %add3A_52 = arith.constant 1 : i32
      %add3A_53 = arith.addi %mul3A_51, %add3A_52 : i32
      %dma_start3A_54 = arith.constant 0 : i32
      %dma_start3A_55 = tpu.memref_slice %arg15[%add3A_53, %dma_start3A_54] : memref<128x64xf32, #tpu.memory_space<vmem>> -> memref<1x64xf32, #tpu.memory_space<vmem>>
      %dma_start3A_56 = arith.constant 0 : i32
      %dma_start3A_57 = tpu.memref_slice %arg6[%squeeze3A_49, %dma_start3A_56] : memref<10x64xf32, #tpu.memory_space<hbm>> -> memref<1x64xf32, #tpu.memory_space<hbm>>
      %dma_start3A_58 = arith.constant 0 : i32
      %dma_start3A_59 = tpu.memref_slice %arg15[%add3A_53, %dma_start3A_58] : memref<128x64xf32, #tpu.memory_space<vmem>> -> memref<1x64xf32, #tpu.memory_space<vmem>>
      %dma_start3A_60 = arith.constant 0 : i32
      %dma_start3A_61 = tpu.memref_slice %arg6[%squeeze3A_49, %dma_start3A_60] : memref<10x64xf32, #tpu.memory_space<hbm>> -> memref<1x64xf32, #tpu.memory_space<hbm>>
      tpu.enqueue_dma source(%dma_start3A_61 : memref<1x64xf32, #tpu.memory_space<hbm>>) target(%dma_start3A_59 : memref<1x64xf32, #tpu.memory_space<vmem>>) target_semaphore(%arg17 : memref<!tpu.dma_semaphore, #tpu.memory_space<semaphore_mem>>)
      %slice3A_62 = vector.extract_strided_slice %get3A_36 {offsets = [2], sizes = [1], strides = [1]} : vector<16xi32> to vector<1xi32>
      %squeeze3A_63 = vector.extract %slice3A_62[0] : i32 from vector<1xi32>
      %mul3A_64 = arith.constant 16 : i32
      %mul3A_65 = arith.muli %add3A_32, %mul3A_64 : i32
      %add3A_66 = arith.constant 2 : i32
      %add3A_67 = arith.addi %mul3A_65, %add3A_66 : i32
      %dma_start3A_68 = arith.constant 0 : i32
      %dma_start3A_69 = tpu.memref_slice %arg15[%add3A_67, %dma_start3A_68] : memref<128x64xf32, #tpu.memory_space<vmem>> -> memref<1x64xf32, #tpu.memory_space<vmem>>
      %dma_start3A_70 = arith.constant 0 : i32
      %dma_start3A_71 = tpu.memref_slice %arg6[%squeeze3A_63, %dma_start3A_70] : memref<10x64xf32, #tpu.memory_space<hbm>> -> memref<1x64xf32, #tpu.memory_space<hbm>>
      %dma_start3A_72 = arith.constant 0 : i32
      %dma_start3A_73 = tpu.memref_slice %arg15[%add3A_67, %dma_start3A_72] : memref<128x64xf32, #tpu.memory_space<vmem>> -> memref<1x64xf32, #tpu.memory_space<vmem>>
      %dma_start3A_74 = arith.constant 0 : i32
      %dma_start3A_75 = tpu.memref_slice %arg6[%squeeze3A_63, %dma_start3A_74] : memref<10x64xf32, #tpu.memory_space<hbm>> -> memref<1x64xf32, #tpu.memory_space<hbm>>
      tpu.enqueue_dma source(%dma_start3A_75 : memref<1x64xf32, #tpu.memory_space<hbm>>) target(%dma_start3A_73 : memref<1x64xf32, #tpu.memory_space<vmem>>) target_semaphore(%arg17 : memref<!tpu.dma_semaphore, #tpu.memory_space<semaphore_mem>>)
      %slice3A_76 = vector.extract_strided_slice %get3A_36 {offsets = [3], sizes = [1], strides = [1]} : vector<16xi32> to vector<1xi32>
      %squeeze3A_77 = vector.extract %slice3A_76[0] : i32 from vector<1xi32>
      %mul3A_78 = arith.constant 16 : i32
      %mul3A_79 = arith.muli %add3A_32, %mul3A_78 : i32
      %add3A_80 = arith.constant 3 : i32
      %add3A_81 = arith.addi %mul3A_79, %add3A_80 : i32
      %dma_start3A_82 = arith.constant 0 : i32
      %dma_start3A_83 = tpu.memref_slice %arg15[%add3A_81, %dma_start3A_82] : memref<128x64xf32, #tpu.memory_space<vmem>> -> memref<1x64xf32, #tpu.memory_space<vmem>>
      %dma_start3A_84 = arith.constant 0 : i32
      %dma_start3A_85 = tpu.memref_slice %arg6[%squeeze3A_77, %dma_start3A_84] : memref<10x64xf32, #tpu.memory_space<hbm>> -> memref<1x64xf32, #tpu.memory_space<hbm>>
      %dma_start3A_86 = arith.constant 0 : i32
      %dma_start3A_87 = tpu.memref_slice %arg15[%add3A_81, %dma_start3A_86] : memref<128x64xf32, #tpu.memory_space<vmem>> -> memref<1x64xf32, #tpu.memory_space<vmem>>
      %dma_start3A_88 = arith.constant 0 : i32
      %dma_start3A_89 = tpu.memref_slice %arg6[%squeeze3A_77, %dma_start3A_88] : memref<10x64xf32, #tpu.memory_space<hbm>> -> memref<1x64xf32, #tpu.memory_space<hbm>>
      tpu.enqueue_dma source(%dma_start3A_89 : memref<1x64xf32, #tpu.memory_space<hbm>>) target(%dma_start3A_87 : memref<1x64xf32, #tpu.memory_space<vmem>>) target_semaphore(%arg17 : memref<!tpu.dma_semaphore, #tpu.memory_space<semaphore_mem>>)
      %slice3A_90 = vector.extract_strided_slice %get3A_36 {offsets = [4], sizes = [1], strides = [1]} : vector<16xi32> to vector<1xi32>
      %squeeze3A_91 = vector.extract %slice3A_90[0] : i32 from vector<1xi32>
      %mul3A_92 = arith.constant 16 : i32
      %mul3A_93 = arith.muli %add3A_32, %mul3A_92 : i32
      %add3A_94 = arith.constant 4 : i32
      %add3A_95 = arith.addi %mul3A_93, %add3A_94 : i32
      %dma_start3A_96 = arith.constant 0 : i32
      %dma_start3A_97 = tpu.memref_slice %arg15[%add3A_95, %dma_start3A_96] : memref<128x64xf32, #tpu.memory_space<vmem>> -> memref<1x64xf32, #tpu.memory_space<vmem>>
      %dma_start3A_98 = arith.constant 0 : i32
      %dma_start3A_99 = tpu.memref_slice %arg6[%squeeze3A_91, %dma_start3A_98] : memref<10x64xf32, #tpu.memory_space<hbm>> -> memref<1x64xf32, #tpu.memory_space<hbm>>
      %dma_start3A_100 = arith.constant 0 : i32
      %dma_start3A_101 = tpu.memref_slice %arg15[%add3A_95, %dma_start3A_100] : memref<128x64xf32, #tpu.memory_space<vmem>> -> memref<1x64xf32, #tpu.memory_space<vmem>>
      %dma_start3A_102 = arith.constant 0 : i32
      %dma_start3A_103 = tpu.memref_slice %arg6[%squeeze3A_91, %dma_start3A_102] : memref<10x64xf32, #tpu.memory_space<hbm>> -> memref<1x64xf32, #tpu.memory_space<hbm>>
      tpu.enqueue_dma source(%dma_start3A_103 : memref<1x64xf32, #tpu.memory_space<hbm>>) target(%dma_start3A_101 : memref<1x64xf32, #tpu.memory_space<vmem>>) target_semaphore(%arg17 : memref<!tpu.dma_semaphore, #tpu.memory_space<semaphore_mem>>)
      %slice3A_104 = vector.extract_strided_slice %get3A_36 {offsets = [5], sizes = [1], strides = [1]} : vector<16xi32> to vector<1xi32>
      %squeeze3A_105 = vector.extract %slice3A_104[0] : i32 from vector<1xi32>
      %mul3A_106 = arith.constant 16 : i32
      %mul3A_107 = arith.muli %add3A_32, %mul3A_106 : i32
      %add3A_108 = arith.constant 5 : i32
      %add3A_109 = arith.addi %mul3A_107, %add3A_108 : i32
      %dma_start3A_110 = arith.constant 0 : i32
      %dma_start3A_111 = tpu.memref_slice %arg15[%add3A_109, %dma_start3A_110] : memref<128x64xf32, #tpu.memory_space<vmem>> -> memref<1x64xf32, #tpu.memory_space<vmem>>
      %dma_start3A_112 = arith.constant 0 : i32
      %dma_start3A_113 = tpu.memref_slice %arg6[%squeeze3A_105, %dma_start3A_112] : memref<10x64xf32, #tpu.memory_space<hbm>> -> memref<1x64xf32, #tpu.memory_space<hbm>>
      %dma_start3A_114 = arith.constant 0 : i32
      %dma_start3A_115 = tpu.memref_slice %arg15[%add3A_109, %dma_start3A_114] : memref<128x64xf32, #tpu.memory_space<vmem>> -> memref<1x64xf32, #tpu.memory_space<vmem>>
      %dma_start3A_116 = arith.constant 0 : i32
      %dma_start3A_117 = tpu.memref_slice %arg6[%squeeze3A_105, %dma_start3A_116] : memref<10x64xf32, #tpu.memory_space<hbm>> -> memref<1x64xf32, #tpu.memory_space<hbm>>
      tpu.enqueue_dma source(%dma_start3A_117 : memref<1x64xf32, #tpu.memory_space<hbm>>) target(%dma_start3A_115 : memref<1x64xf32, #tpu.memory_space<vmem>>) target_semaphore(%arg17 : memref<!tpu.dma_semaphore, #tpu.memory_space<semaphore_mem>>)
      %slice3A_118 = vector.extract_strided_slice %get3A_36 {offsets = [6], sizes = [1], strides = [1]} : vector<16xi32> to vector<1xi32>
      %squeeze3A_119 = vector.extract %slice3A_118[0] : i32 from vector<1xi32>
      %mul3A_120 = arith.constant 16 : i32
      %mul3A_121 = arith.muli %add3A_32, %mul3A_120 : i32
      %add3A_122 = arith.constant 6 : i32
      %add3A_123 = arith.addi %mul3A_121, %add3A_122 : i32
      %dma_start3A_124 = arith.constant 0 : i32
      %dma_start3A_125 = tpu.memref_slice %arg15[%add3A_123, %dma_start3A_124] : memref<128x64xf32, #tpu.memory_space<vmem>> -> memref<1x64xf32, #tpu.memory_space<vmem>>
      %dma_start3A_126 = arith.constant 0 : i32
      %dma_start3A_127 = tpu.memref_slice %arg6[%squeeze3A_119, %dma_start3A_126] : memref<10x64xf32, #tpu.memory_space<hbm>> -> memref<1x64xf32, #tpu.memory_space<hbm>>
      %dma_start3A_128 = arith.constant 0 : i32
      %dma_start3A_129 = tpu.memref_slice %arg15[%add3A_123, %dma_start3A_128] : memref<128x64xf32, #tpu.memory_space<vmem>> -> memref<1x64xf32, #tpu.memory_space<vmem>>
      %dma_start3A_130 = arith.constant 0 : i32
      %dma_start3A_131 = tpu.memref_slice %arg6[%squeeze3A_119, %dma_start3A_130] : memref<10x64xf32, #tpu.memory_space<hbm>> -> memref<1x64xf32, #tpu.memory_space<hbm>>
      tpu.enqueue_dma source(%dma_start3A_131 : memref<1x64xf32, #tpu.memory_space<hbm>>) target(%dma_start3A_129 : memref<1x64xf32, #tpu.memory_space<vmem>>) target_semaphore(%arg17 : memref<!tpu.dma_semaphore, #tpu.memory_space<semaphore_mem>>)
      %slice3A_132 = vector.extract_strided_slice %get3A_36 {offsets = [7], sizes = [1], strides = [1]} : vector<16xi32> to vector<1xi32>
      %squeeze3A_133 = vector.extract %slice3A_132[0] : i32 from vector<1xi32>
      %mul3A_134 = arith.constant 16 : i32
      %mul3A_135 = arith.muli %add3A_32, %mul3A_134 : i32
      %add3A_136 = arith.constant 7 : i32
      %add3A_137 = arith.addi %mul3A_135, %add3A_136 : i32
      %dma_start3A_138 = arith.constant 0 : i32
      %dma_start3A_139 = tpu.memref_slice %arg15[%add3A_137, %dma_start3A_138] : memref<128x64xf32, #tpu.memory_space<vmem>> -> memref<1x64xf32, #tpu.memory_space<vmem>>
      %dma_start3A_140 = arith.constant 0 : i32
      %dma_start3A_141 = tpu.memref_slice %arg6[%squeeze3A_133, %dma_start3A_140] : memref<10x64xf32, #tpu.memory_space<hbm>> -> memref<1x64xf32, #tpu.memory_space<hbm>>
      %dma_start3A_142 = arith.constant 0 : i32
      %dma_start3A_143 = tpu.memref_slice %arg15[%add3A_137, %dma_start3A_142] : memref<128x64xf32, #tpu.memory_space<vmem>> -> memref<1x64xf32, #tpu.memory_space<vmem>>
      %dma_start3A_144 = arith.constant 0 : i32
      %dma_start3A_145 = tpu.memref_slice %arg6[%squeeze3A_133, %dma_start3A_144] : memref<10x64xf32, #tpu.memory_space<hbm>> -> memref<1x64xf32, #tpu.memory_space<hbm>>
      tpu.enqueue_dma source(%dma_start3A_145 : memref<1x64xf32, #tpu.memory_space<hbm>>) target(%dma_start3A_143 : memref<1x64xf32, #tpu.memory_space<vmem>>) target_semaphore(%arg17 : memref<!tpu.dma_semaphore, #tpu.memory_space<semaphore_mem>>)
      %slice3A_146 = vector.extract_strided_slice %get3A_36 {offsets = [8], sizes = [1], strides = [1]} : vector<16xi32> to vector<1xi32>
      %squeeze3A_147 = vector.extract %slice3A_146[0] : i32 from vector<1xi32>
      %mul3A_148 = arith.constant 16 : i32
      %mul3A_149 = arith.muli %add3A_32, %mul3A_148 : i32
      %add3A_150 = arith.constant 8 : i32
      %add3A_151 = arith.addi %mul3A_149, %add3A_150 : i32
      %dma_start3A_152 = arith.constant 0 : i32
      %dma_start3A_153 = tpu.memref_slice %arg15[%add3A_151, %dma_start3A_152] : memref<128x64xf32, #tpu.memory_space<vmem>> -> memref<1x64xf32, #tpu.memory_space<vmem>>
      %dma_start3A_154 = arith.constant 0 : i32
      %dma_start3A_155 = tpu.memref_slice %arg6[%squeeze3A_147, %dma_start3A_154] : memref<10x64xf32, #tpu.memory_space<hbm>> -> memref<1x64xf32, #tpu.memory_space<hbm>>
      %dma_start3A_156 = arith.constant 0 : i32
      %dma_start3A_157 = tpu.memref_slice %arg15[%add3A_151, %dma_start3A_156] : memref<128x64xf32, #tpu.memory_space<vmem>> -> memref<1x64xf32, #tpu.memory_space<vmem>>
      %dma_start3A_158 = arith.constant 0 : i32
      %dma_start3A_159 = tpu.memref_slice %arg6[%squeeze3A_147, %dma_start3A_158] : memref<10x64xf32, #tpu.memory_space<hbm>> -> memref<1x64xf32, #tpu.memory_space<hbm>>
      tpu.enqueue_dma source(%dma_start3A_159 : memref<1x64xf32, #tpu.memory_space<hbm>>) target(%dma_start3A_157 : memref<1x64xf32, #tpu.memory_space<vmem>>) target_semaphore(%arg17 : memref<!tpu.dma_semaphore, #tpu.memory_space<semaphore_mem>>)
      %slice3A_160 = vector.extract_strided_slice %get3A_36 {offsets = [9], sizes = [1], strides = [1]} : vector<16xi32> to vector<1xi32>
      %squeeze3A_161 = vector.extract %slice3A_160[0] : i32 from vector<1xi32>
      %mul3A_162 = arith.constant 16 : i32
      %mul3A_163 = arith.muli %add3A_32, %mul3A_162 : i32
      %add3A_164 = arith.constant 9 : i32
      %add3A_165 = arith.addi %mul3A_163, %add3A_164 : i32
      %dma_start3A_166 = arith.constant 0 : i32
      %dma_start3A_167 = tpu.memref_slice %arg15[%add3A_165, %dma_start3A_166] : memref<128x64xf32, #tpu.memory_space<vmem>> -> memref<1x64xf32, #tpu.memory_space<vmem>>
      %dma_start3A_168 = arith.constant 0 : i32
      %dma_start3A_169 = tpu.memref_slice %arg6[%squeeze3A_161, %dma_start3A_168] : memref<10x64xf32, #tpu.memory_space<hbm>> -> memref<1x64xf32, #tpu.memory_space<hbm>>
      %dma_start3A_170 = arith.constant 0 : i32
      %dma_start3A_171 = tpu.memref_slice %arg15[%add3A_165, %dma_start3A_170] : memref<128x64xf32, #tpu.memory_space<vmem>> -> memref<1x64xf32, #tpu.memory_space<vmem>>
      %dma_start3A_172 = arith.constant 0 : i32
      %dma_start3A_173 = tpu.memref_slice %arg6[%squeeze3A_161, %dma_start3A_172] : memref<10x64xf32, #tpu.memory_space<hbm>> -> memref<1x64xf32, #tpu.memory_space<hbm>>
      tpu.enqueue_dma source(%dma_start3A_173 : memref<1x64xf32, #tpu.memory_space<hbm>>) target(%dma_start3A_171 : memref<1x64xf32, #tpu.memory_space<vmem>>) target_semaphore(%arg17 : memref<!tpu.dma_semaphore, #tpu.memory_space<semaphore_mem>>)
      %slice3A_174 = vector.extract_strided_slice %get3A_36 {offsets = [10], sizes = [1], strides = [1]} : vector<16xi32> to vector<1xi32>
      %squeeze3A_175 = vector.extract %slice3A_174[0] : i32 from vector<1xi32>
      %mul3A_176 = arith.constant 16 : i32
      %mul3A_177 = arith.muli %add3A_32, %mul3A_176 : i32
      %add3A_178 = arith.constant 10 : i32
      %add3A_179 = arith.addi %mul3A_177, %add3A_178 : i32
      %dma_start3A_180 = arith.constant 0 : i32
      %dma_start3A_181 = tpu.memref_slice %arg15[%add3A_179, %dma_start3A_180] : memref<128x64xf32, #tpu.memory_space<vmem>> -> memref<1x64xf32, #tpu.memory_space<vmem>>
      %dma_start3A_182 = arith.constant 0 : i32
      %dma_start3A_183 = tpu.memref_slice %arg6[%squeeze3A_175, %dma_start3A_182] : memref<10x64xf32, #tpu.memory_space<hbm>> -> memref<1x64xf32, #tpu.memory_space<hbm>>
      %dma_start3A_184 = arith.constant 0 : i32
      %dma_start3A_185 = tpu.memref_slice %arg15[%add3A_179, %dma_start3A_184] : memref<128x64xf32, #tpu.memory_space<vmem>> -> memref<1x64xf32, #tpu.memory_space<vmem>>
      %dma_start3A_186 = arith.constant 0 : i32
      %dma_start3A_187 = tpu.memref_slice %arg6[%squeeze3A_175, %dma_start3A_186] : memref<10x64xf32, #tpu.memory_space<hbm>> -> memref<1x64xf32, #tpu.memory_space<hbm>>
      tpu.enqueue_dma source(%dma_start3A_187 : memref<1x64xf32, #tpu.memory_space<hbm>>) target(%dma_start3A_185 : memref<1x64xf32, #tpu.memory_space<vmem>>) target_semaphore(%arg17 : memref<!tpu.dma_semaphore, #tpu.memory_space<semaphore_mem>>)
      %slice3A_188 = vector.extract_strided_slice %get3A_36 {offsets = [11], sizes = [1], strides = [1]} : vector<16xi32> to vector<1xi32>
      %squeeze3A_189 = vector.extract %slice3A_188[0] : i32 from vector<1xi32>
      %mul3A_190 = arith.constant 16 : i32
      %mul3A_191 = arith.muli %add3A_32, %mul3A_190 : i32
      %add3A_192 = arith.constant 11 : i32
      %add3A_193 = arith.addi %mul3A_191, %add3A_192 : i32
      %dma_start3A_194 = arith.constant 0 : i32
      %dma_start3A_195 = tpu.memref_slice %arg15[%add3A_193, %dma_start3A_194] : memref<128x64xf32, #tpu.memory_space<vmem>> -> memref<1x64xf32, #tpu.memory_space<vmem>>
      %dma_start3A_196 = arith.constant 0 : i32
      %dma_start3A_197 = tpu.memref_slice %arg6[%squeeze3A_189, %dma_start3A_196] : memref<10x64xf32, #tpu.memory_space<hbm>> -> memref<1x64xf32, #tpu.memory_space<hbm>>
      %dma_start3A_198 = arith.constant 0 : i32
      %dma_start3A_199 = tpu.memref_slice %arg15[%add3A_193, %dma_start3A_198] : memref<128x64xf32, #tpu.memory_space<vmem>> -> memref<1x64xf32, #tpu.memory_space<vmem>>
      %dma_start3A_200 = arith.constant 0 : i32
      %dma_start3A_201 = tpu.memref_slice %arg6[%squeeze3A_189, %dma_start3A_200] : memref<10x64xf32, #tpu.memory_space<hbm>> -> memref<1x64xf32, #tpu.memory_space<hbm>>
      tpu.enqueue_dma source(%dma_start3A_201 : memref<1x64xf32, #tpu.memory_space<hbm>>) target(%dma_start3A_199 : memref<1x64xf32, #tpu.memory_space<vmem>>) target_semaphore(%arg17 : memref<!tpu.dma_semaphore, #tpu.memory_space<semaphore_mem>>)
      %slice3A_202 = vector.extract_strided_slice %get3A_36 {offsets = [12], sizes = [1], strides = [1]} : vector<16xi32> to vector<1xi32>
      %squeeze3A_203 = vector.extract %slice3A_202[0] : i32 from vector<1xi32>
      %mul3A_204 = arith.constant 16 : i32
      %mul3A_205 = arith.muli %add3A_32, %mul3A_204 : i32
      %add3A_206 = arith.constant 12 : i32
      %add3A_207 = arith.addi %mul3A_205, %add3A_206 : i32
      %dma_start3A_208 = arith.constant 0 : i32
      %dma_start3A_209 = tpu.memref_slice %arg15[%add3A_207, %dma_start3A_208] : memref<128x64xf32, #tpu.memory_space<vmem>> -> memref<1x64xf32, #tpu.memory_space<vmem>>
      %dma_start3A_210 = arith.constant 0 : i32
      %dma_start3A_211 = tpu.memref_slice %arg6[%squeeze3A_203, %dma_start3A_210] : memref<10x64xf32, #tpu.memory_space<hbm>> -> memref<1x64xf32, #tpu.memory_space<hbm>>
      %dma_start3A_212 = arith.constant 0 : i32
      %dma_start3A_213 = tpu.memref_slice %arg15[%add3A_207, %dma_start3A_212] : memref<128x64xf32, #tpu.memory_space<vmem>> -> memref<1x64xf32, #tpu.memory_space<vmem>>
      %dma_start3A_214 = arith.constant 0 : i32
      %dma_start3A_215 = tpu.memref_slice %arg6[%squeeze3A_203, %dma_start3A_214] : memref<10x64xf32, #tpu.memory_space<hbm>> -> memref<1x64xf32, #tpu.memory_space<hbm>>
      tpu.enqueue_dma source(%dma_start3A_215 : memref<1x64xf32, #tpu.memory_space<hbm>>) target(%dma_start3A_213 : memref<1x64xf32, #tpu.memory_space<vmem>>) target_semaphore(%arg17 : memref<!tpu.dma_semaphore, #tpu.memory_space<semaphore_mem>>)
      %slice3A_216 = vector.extract_strided_slice %get3A_36 {offsets = [13], sizes = [1], strides = [1]} : vector<16xi32> to vector<1xi32>
      %squeeze3A_217 = vector.extract %slice3A_216[0] : i32 from vector<1xi32>
      %mul3A_218 = arith.constant 16 : i32
      %mul3A_219 = arith.muli %add3A_32, %mul3A_218 : i32
      %add3A_220 = arith.constant 13 : i32
      %add3A_221 = arith.addi %mul3A_219, %add3A_220 : i32
      %dma_start3A_222 = arith.constant 0 : i32
      %dma_start3A_223 = tpu.memref_slice %arg15[%add3A_221, %dma_start3A_222] : memref<128x64xf32, #tpu.memory_space<vmem>> -> memref<1x64xf32, #tpu.memory_space<vmem>>
      %dma_start3A_224 = arith.constant 0 : i32
      %dma_start3A_225 = tpu.memref_slice %arg6[%squeeze3A_217, %dma_start3A_224] : memref<10x64xf32, #tpu.memory_space<hbm>> -> memref<1x64xf32, #tpu.memory_space<hbm>>
      %dma_start3A_226 = arith.constant 0 : i32
      %dma_start3A_227 = tpu.memref_slice %arg15[%add3A_221, %dma_start3A_226] : memref<128x64xf32, #tpu.memory_space<vmem>> -> memref<1x64xf32, #tpu.memory_space<vmem>>
      %dma_start3A_228 = arith.constant 0 : i32
      %dma_start3A_229 = tpu.memref_slice %arg6[%squeeze3A_217, %dma_start3A_228] : memref<10x64xf32, #tpu.memory_space<hbm>> -> memref<1x64xf32, #tpu.memory_space<hbm>>
      tpu.enqueue_dma source(%dma_start3A_229 : memref<1x64xf32, #tpu.memory_space<hbm>>) target(%dma_start3A_227 : memref<1x64xf32, #tpu.memory_space<vmem>>) target_semaphore(%arg17 : memref<!tpu.dma_semaphore, #tpu.memory_space<semaphore_mem>>)
      %slice3A_230 = vector.extract_strided_slice %get3A_36 {offsets = [14], sizes = [1], strides = [1]} : vector<16xi32> to vector<1xi32>
      %squeeze3A_231 = vector.extract %slice3A_230[0] : i32 from vector<1xi32>
      %mul3A_232 = arith.constant 16 : i32
      %mul3A_233 = arith.muli %add3A_32, %mul3A_232 : i32
      %add3A_234 = arith.constant 14 : i32
      %add3A_235 = arith.addi %mul3A_233, %add3A_234 : i32
      %dma_start3A_236 = arith.constant 0 : i32
      %dma_start3A_237 = tpu.memref_slice %arg15[%add3A_235, %dma_start3A_236] : memref<128x64xf32, #tpu.memory_space<vmem>> -> memref<1x64xf32, #tpu.memory_space<vmem>>
      %dma_start3A_238 = arith.constant 0 : i32
      %dma_start3A_239 = tpu.memref_slice %arg6[%squeeze3A_231, %dma_start3A_238] : memref<10x64xf32, #tpu.memory_space<hbm>> -> memref<1x64xf32, #tpu.memory_space<hbm>>
      %dma_start3A_240 = arith.constant 0 : i32
      %dma_start3A_241 = tpu.memref_slice %arg15[%add3A_235, %dma_start3A_240] : memref<128x64xf32, #tpu.memory_space<vmem>> -> memref<1x64xf32, #tpu.memory_space<vmem>>
      %dma_start3A_242 = arith.constant 0 : i32
      %dma_start3A_243 = tpu.memref_slice %arg6[%squeeze3A_231, %dma_start3A_242] : memref<10x64xf32, #tpu.memory_space<hbm>> -> memref<1x64xf32, #tpu.memory_space<hbm>>
      tpu.enqueue_dma source(%dma_start3A_243 : memref<1x64xf32, #tpu.memory_space<hbm>>) target(%dma_start3A_241 : memref<1x64xf32, #tpu.memory_space<vmem>>) target_semaphore(%arg17 : memref<!tpu.dma_semaphore, #tpu.memory_space<semaphore_mem>>)
      %slice3A_244 = vector.extract_strided_slice %get3A_36 {offsets = [15], sizes = [1], strides = [1]} : vector<16xi32> to vector<1xi32>
      %squeeze3A_245 = vector.extract %slice3A_244[0] : i32 from vector<1xi32>
      %mul3A_246 = arith.constant 16 : i32
      %mul3A_247 = arith.muli %add3A_32, %mul3A_246 : i32
      %add3A_248 = arith.constant 15 : i32
      %add3A_249 = arith.addi %mul3A_247, %add3A_248 : i32
      %dma_start3A_250 = arith.constant 0 : i32
      %dma_start3A_251 = tpu.memref_slice %arg15[%add3A_249, %dma_start3A_250] : memref<128x64xf32, #tpu.memory_space<vmem>> -> memref<1x64xf32, #tpu.memory_space<vmem>>
      %dma_start3A_252 = arith.constant 0 : i32
      %dma_start3A_253 = tpu.memref_slice %arg6[%squeeze3A_245, %dma_start3A_252] : memref<10x64xf32, #tpu.memory_space<hbm>> -> memref<1x64xf32, #tpu.memory_space<hbm>>
      %dma_start3A_254 = arith.constant 0 : i32
      %dma_start3A_255 = tpu.memref_slice %arg15[%add3A_249, %dma_start3A_254] : memref<128x64xf32, #tpu.memory_space<vmem>> -> memref<1x64xf32, #tpu.memory_space<vmem>>
      %dma_start3A_256 = arith.constant 0 : i32
      %dma_start3A_257 = tpu.memref_slice %arg6[%squeeze3A_245, %dma_start3A_256] : memref<10x64xf32, #tpu.memory_space<hbm>> -> memref<1x64xf32, #tpu.memory_space<hbm>>
      tpu.enqueue_dma source(%dma_start3A_257 : memref<1x64xf32, #tpu.memory_space<hbm>>) target(%dma_start3A_255 : memref<1x64xf32, #tpu.memory_space<vmem>>) target_semaphore(%arg17 : memref<!tpu.dma_semaphore, #tpu.memory_space<semaphore_mem>>)
    }
    %scan3A_11 = arith.constant 8 : i32
    %scan3A_12 = arith.constant 0 : i32
    %scan3A_13 = arith.constant 8 : i32
    %scan3A_14 = arith.addi %scan3A_12, %scan3A_13 : i32
    %scan3A_15 = arith.constant 1 : i32
    scf.for %scan3A_28 = %scan3A_12 to %scan3A_14 step %scan3A_15  : i32 {
      %mul3A_29 = arith.constant 1 : i32
      %mul3A_30 = arith.muli %scan3A_28, %mul3A_29 : i32
      %add3A_31 = arith.constant 0 : i32
      %add3A_32 = arith.addi %add3A_31, %mul3A_30 : i32
      %mul3A_33 = arith.constant 16 : i32
      %mul3A_34 = arith.muli %add3A_32, %mul3A_33 : i32
      %get3A = arith.index_cast %mul3A_34 : i32 to index
      %get3A_35 = tpu.vector_load %arg13[%get3A] {strides = array<i32>} : memref<128xi32, #tpu.memory_space<vmem>>, vector<16xi32>,
      %get3A_36 = vector.shape_cast %get3A_35 : vector<16xi32> to vector<16xi32>
      %slice3A = vector.extract_strided_slice %get3A_36 {offsets = [0], sizes = [1], strides = [1]} : vector<16xi32> to vector<1xi32>
      %squeeze3A = vector.extract %slice3A[0] : i32 from vector<1xi32>
      %mul3A_37 = arith.constant 16 : i32
      %mul3A_38 = arith.muli %add3A_32, %mul3A_37 : i32
      %add3A_39 = arith.constant 0 : i32
      %add3A_40 = arith.addi %mul3A_38, %add3A_39 : i32
      %dma_start3A = arith.constant 0 : i32
      %dma_start3A_41 = tpu.memref_slice %arg16[%add3A_40, %dma_start3A] : memref<128x64xf32, #tpu.memory_space<vmem>> -> memref<1x64xf32, #tpu.memory_space<vmem>>
      %dma_start3A_42 = arith.constant 0 : i32
      %dma_start3A_43 = tpu.memref_slice %arg7[%squeeze3A, %dma_start3A_42] : memref<100000x64xf32, #tpu.memory_space<hbm>> -> memref<1x64xf32, #tpu.memory_space<hbm>>
      %dma_start3A_44 = arith.constant 0 : i32
      %dma_start3A_45 = tpu.memref_slice %arg16[%add3A_40, %dma_start3A_44] : memref<128x64xf32, #tpu.memory_space<vmem>> -> memref<1x64xf32, #tpu.memory_space<vmem>>
      %dma_start3A_46 = arith.constant 0 : i32
      %dma_start3A_47 = tpu.memref_slice %arg7[%squeeze3A, %dma_start3A_46] : memref<100000x64xf32, #tpu.memory_space<hbm>> -> memref<1x64xf32, #tpu.memory_space<hbm>>
      tpu.enqueue_dma source(%dma_start3A_47 : memref<1x64xf32, #tpu.memory_space<hbm>>) target(%dma_start3A_45 : memref<1x64xf32, #tpu.memory_space<vmem>>) target_semaphore(%arg17 : memref<!tpu.dma_semaphore, #tpu.memory_space<semaphore_mem>>)
      %slice3A_48 = vector.extract_strided_slice %get3A_36 {offsets = [1], sizes = [1], strides = [1]} : vector<16xi32> to vector<1xi32>
      %squeeze3A_49 = vector.extract %slice3A_48[0] : i32 from vector<1xi32>
      %mul3A_50 = arith.constant 16 : i32
      %mul3A_51 = arith.muli %add3A_32, %mul3A_50 : i32
      %add3A_52 = arith.constant 1 : i32
      %add3A_53 = arith.addi %mul3A_51, %add3A_52 : i32
      %dma_start3A_54 = arith.constant 0 : i32
      %dma_start3A_55 = tpu.memref_slice %arg16[%add3A_53, %dma_start3A_54] : memref<128x64xf32, #tpu.memory_space<vmem>> -> memref<1x64xf32, #tpu.memory_space<vmem>>
      %dma_start3A_56 = arith.constant 0 : i32
      %dma_start3A_57 = tpu.memref_slice %arg7[%squeeze3A_49, %dma_start3A_56] : memref<100000x64xf32, #tpu.memory_space<hbm>> -> memref<1x64xf32, #tpu.memory_space<hbm>>
      %dma_start3A_58 = arith.constant 0 : i32
      %dma_start3A_59 = tpu.memref_slice %arg16[%add3A_53, %dma_start3A_58] : memref<128x64xf32, #tpu.memory_space<vmem>> -> memref<1x64xf32, #tpu.memory_space<vmem>>
      %dma_start3A_60 = arith.constant 0 : i32
      %dma_start3A_61 = tpu.memref_slice %arg7[%squeeze3A_49, %dma_start3A_60] : memref<100000x64xf32, #tpu.memory_space<hbm>> -> memref<1x64xf32, #tpu.memory_space<hbm>>
      tpu.enqueue_dma source(%dma_start3A_61 : memref<1x64xf32, #tpu.memory_space<hbm>>) target(%dma_start3A_59 : memref<1x64xf32, #tpu.memory_space<vmem>>) target_semaphore(%arg17 : memref<!tpu.dma_semaphore, #tpu.memory_space<semaphore_mem>>)
      %slice3A_62 = vector.extract_strided_slice %get3A_36 {offsets = [2], sizes = [1], strides = [1]} : vector<16xi32> to vector<1xi32>
      %squeeze3A_63 = vector.extract %slice3A_62[0] : i32 from vector<1xi32>
      %mul3A_64 = arith.constant 16 : i32
      %mul3A_65 = arith.muli %add3A_32, %mul3A_64 : i32
      %add3A_66 = arith.constant 2 : i32
      %add3A_67 = arith.addi %mul3A_65, %add3A_66 : i32
      %dma_start3A_68 = arith.constant 0 : i32
      %dma_start3A_69 = tpu.memref_slice %arg16[%add3A_67, %dma_start3A_68] : memref<128x64xf32, #tpu.memory_space<vmem>> -> memref<1x64xf32, #tpu.memory_space<vmem>>
      %dma_start3A_70 = arith.constant 0 : i32
      %dma_start3A_71 = tpu.memref_slice %arg7[%squeeze3A_63, %dma_start3A_70] : memref<100000x64xf32, #tpu.memory_space<hbm>> -> memref<1x64xf32, #tpu.memory_space<hbm>>
      %dma_start3A_72 = arith.constant 0 : i32
      %dma_start3A_73 = tpu.memref_slice %arg16[%add3A_67, %dma_start3A_72] : memref<128x64xf32, #tpu.memory_space<vmem>> -> memref<1x64xf32, #tpu.memory_space<vmem>>
      %dma_start3A_74 = arith.constant 0 : i32
      %dma_start3A_75 = tpu.memref_slice %arg7[%squeeze3A_63, %dma_start3A_74] : memref<100000x64xf32, #tpu.memory_space<hbm>> -> memref<1x64xf32, #tpu.memory_space<hbm>>
      tpu.enqueue_dma source(%dma_start3A_75 : memref<1x64xf32, #tpu.memory_space<hbm>>) target(%dma_start3A_73 : memref<1x64xf32, #tpu.memory_space<vmem>>) target_semaphore(%arg17 : memref<!tpu.dma_semaphore, #tpu.memory_space<semaphore_mem>>)
      %slice3A_76 = vector.extract_strided_slice %get3A_36 {offsets = [3], sizes = [1], strides = [1]} : vector<16xi32> to vector<1xi32>
      %squeeze3A_77 = vector.extract %slice3A_76[0] : i32 from vector<1xi32>
      %mul3A_78 = arith.constant 16 : i32
      %mul3A_79 = arith.muli %add3A_32, %mul3A_78 : i32
      %add3A_80 = arith.constant 3 : i32
      %add3A_81 = arith.addi %mul3A_79, %add3A_80 : i32
      %dma_start3A_82 = arith.constant 0 : i32
      %dma_start3A_83 = tpu.memref_slice %arg16[%add3A_81, %dma_start3A_82] : memref<128x64xf32, #tpu.memory_space<vmem>> -> memref<1x64xf32, #tpu.memory_space<vmem>>
      %dma_start3A_84 = arith.constant 0 : i32
      %dma_start3A_85 = tpu.memref_slice %arg7[%squeeze3A_77, %dma_start3A_84] : memref<100000x64xf32, #tpu.memory_space<hbm>> -> memref<1x64xf32, #tpu.memory_space<hbm>>
      %dma_start3A_86 = arith.constant 0 : i32
      %dma_start3A_87 = tpu.memref_slice %arg16[%add3A_81, %dma_start3A_86] : memref<128x64xf32, #tpu.memory_space<vmem>> -> memref<1x64xf32, #tpu.memory_space<vmem>>
      %dma_start3A_88 = arith.constant 0 : i32
      %dma_start3A_89 = tpu.memref_slice %arg7[%squeeze3A_77, %dma_start3A_88] : memref<100000x64xf32, #tpu.memory_space<hbm>> -> memref<1x64xf32, #tpu.memory_space<hbm>>
      tpu.enqueue_dma source(%dma_start3A_89 : memref<1x64xf32, #tpu.memory_space<hbm>>) target(%dma_start3A_87 : memref<1x64xf32, #tpu.memory_space<vmem>>) target_semaphore(%arg17 : memref<!tpu.dma_semaphore, #tpu.memory_space<semaphore_mem>>)
      %slice3A_90 = vector.extract_strided_slice %get3A_36 {offsets = [4], sizes = [1], strides = [1]} : vector<16xi32> to vector<1xi32>
      %squeeze3A_91 = vector.extract %slice3A_90[0] : i32 from vector<1xi32>
      %mul3A_92 = arith.constant 16 : i32
      %mul3A_93 = arith.muli %add3A_32, %mul3A_92 : i32
      %add3A_94 = arith.constant 4 : i32
      %add3A_95 = arith.addi %mul3A_93, %add3A_94 : i32
      %dma_start3A_96 = arith.constant 0 : i32
      %dma_start3A_97 = tpu.memref_slice %arg16[%add3A_95, %dma_start3A_96] : memref<128x64xf32, #tpu.memory_space<vmem>> -> memref<1x64xf32, #tpu.memory_space<vmem>>
      %dma_start3A_98 = arith.constant 0 : i32
      %dma_start3A_99 = tpu.memref_slice %arg7[%squeeze3A_91, %dma_start3A_98] : memref<100000x64xf32, #tpu.memory_space<hbm>> -> memref<1x64xf32, #tpu.memory_space<hbm>>
      %dma_start3A_100 = arith.constant 0 : i32
      %dma_start3A_101 = tpu.memref_slice %arg16[%add3A_95, %dma_start3A_100] : memref<128x64xf32, #tpu.memory_space<vmem>> -> memref<1x64xf32, #tpu.memory_space<vmem>>
      %dma_start3A_102 = arith.constant 0 : i32
      %dma_start3A_103 = tpu.memref_slice %arg7[%squeeze3A_91, %dma_start3A_102] : memref<100000x64xf32, #tpu.memory_space<hbm>> -> memref<1x64xf32, #tpu.memory_space<hbm>>
      tpu.enqueue_dma source(%dma_start3A_103 : memref<1x64xf32, #tpu.memory_space<hbm>>) target(%dma_start3A_101 : memref<1x64xf32, #tpu.memory_space<vmem>>) target_semaphore(%arg17 : memref<!tpu.dma_semaphore, #tpu.memory_space<semaphore_mem>>)
      %slice3A_104 = vector.extract_strided_slice %get3A_36 {offsets = [5], sizes = [1], strides = [1]} : vector<16xi32> to vector<1xi32>
      %squeeze3A_105 = vector.extract %slice3A_104[0] : i32 from vector<1xi32>
      %mul3A_106 = arith.constant 16 : i32
      %mul3A_107 = arith.muli %add3A_32, %mul3A_106 : i32
      %add3A_108 = arith.constant 5 : i32
      %add3A_109 = arith.addi %mul3A_107, %add3A_108 : i32
      %dma_start3A_110 = arith.constant 0 : i32
      %dma_start3A_111 = tpu.memref_slice %arg16[%add3A_109, %dma_start3A_110] : memref<128x64xf32, #tpu.memory_space<vmem>> -> memref<1x64xf32, #tpu.memory_space<vmem>>
      %dma_start3A_112 = arith.constant 0 : i32
      %dma_start3A_113 = tpu.memref_slice %arg7[%squeeze3A_105, %dma_start3A_112] : memref<100000x64xf32, #tpu.memory_space<hbm>> -> memref<1x64xf32, #tpu.memory_space<hbm>>
      %dma_start3A_114 = arith.constant 0 : i32
      %dma_start3A_115 = tpu.memref_slice %arg16[%add3A_109, %dma_start3A_114] : memref<128x64xf32, #tpu.memory_space<vmem>> -> memref<1x64xf32, #tpu.memory_space<vmem>>
      %dma_start3A_116 = arith.constant 0 : i32
      %dma_start3A_117 = tpu.memref_slice %arg7[%squeeze3A_105, %dma_start3A_116] : memref<100000x64xf32, #tpu.memory_space<hbm>> -> memref<1x64xf32, #tpu.memory_space<hbm>>
      tpu.enqueue_dma source(%dma_start3A_117 : memref<1x64xf32, #tpu.memory_space<hbm>>) target(%dma_start3A_115 : memref<1x64xf32, #tpu.memory_space<vmem>>) target_semaphore(%arg17 : memref<!tpu.dma_semaphore, #tpu.memory_space<semaphore_mem>>)
      %slice3A_118 = vector.extract_strided_slice %get3A_36 {offsets = [6], sizes = [1], strides = [1]} : vector<16xi32> to vector<1xi32>
      %squeeze3A_119 = vector.extract %slice3A_118[0] : i32 from vector<1xi32>
      %mul3A_120 = arith.constant 16 : i32
      %mul3A_121 = arith.muli %add3A_32, %mul3A_120 : i32
      %add3A_122 = arith.constant 6 : i32
      %add3A_123 = arith.addi %mul3A_121, %add3A_122 : i32
      %dma_start3A_124 = arith.constant 0 : i32
      %dma_start3A_125 = tpu.memref_slice %arg16[%add3A_123, %dma_start3A_124] : memref<128x64xf32, #tpu.memory_space<vmem>> -> memref<1x64xf32, #tpu.memory_space<vmem>>
      %dma_start3A_126 = arith.constant 0 : i32
      %dma_start3A_127 = tpu.memref_slice %arg7[%squeeze3A_119, %dma_start3A_126] : memref<100000x64xf32, #tpu.memory_space<hbm>> -> memref<1x64xf32, #tpu.memory_space<hbm>>
      %dma_start3A_128 = arith.constant 0 : i32
      %dma_start3A_129 = tpu.memref_slice %arg16[%add3A_123, %dma_start3A_128] : memref<128x64xf32, #tpu.memory_space<vmem>> -> memref<1x64xf32, #tpu.memory_space<vmem>>
      %dma_start3A_130 = arith.constant 0 : i32
      %dma_start3A_131 = tpu.memref_slice %arg7[%squeeze3A_119, %dma_start3A_130] : memref<100000x64xf32, #tpu.memory_space<hbm>> -> memref<1x64xf32, #tpu.memory_space<hbm>>
      tpu.enqueue_dma source(%dma_start3A_131 : memref<1x64xf32, #tpu.memory_space<hbm>>) target(%dma_start3A_129 : memref<1x64xf32, #tpu.memory_space<vmem>>) target_semaphore(%arg17 : memref<!tpu.dma_semaphore, #tpu.memory_space<semaphore_mem>>)
      %slice3A_132 = vector.extract_strided_slice %get3A_36 {offsets = [7], sizes = [1], strides = [1]} : vector<16xi32> to vector<1xi32>
      %squeeze3A_133 = vector.extract %slice3A_132[0] : i32 from vector<1xi32>
      %mul3A_134 = arith.constant 16 : i32
      %mul3A_135 = arith.muli %add3A_32, %mul3A_134 : i32
      %add3A_136 = arith.constant 7 : i32
      %add3A_137 = arith.addi %mul3A_135, %add3A_136 : i32
      %dma_start3A_138 = arith.constant 0 : i32
      %dma_start3A_139 = tpu.memref_slice %arg16[%add3A_137, %dma_start3A_138] : memref<128x64xf32, #tpu.memory_space<vmem>> -> memref<1x64xf32, #tpu.memory_space<vmem>>
      %dma_start3A_140 = arith.constant 0 : i32
      %dma_start3A_141 = tpu.memref_slice %arg7[%squeeze3A_133, %dma_start3A_140] : memref<100000x64xf32, #tpu.memory_space<hbm>> -> memref<1x64xf32, #tpu.memory_space<hbm>>
      %dma_start3A_142 = arith.constant 0 : i32
      %dma_start3A_143 = tpu.memref_slice %arg16[%add3A_137, %dma_start3A_142] : memref<128x64xf32, #tpu.memory_space<vmem>> -> memref<1x64xf32, #tpu.memory_space<vmem>>
      %dma_start3A_144 = arith.constant 0 : i32
      %dma_start3A_145 = tpu.memref_slice %arg7[%squeeze3A_133, %dma_start3A_144] : memref<100000x64xf32, #tpu.memory_space<hbm>> -> memref<1x64xf32, #tpu.memory_space<hbm>>
      tpu.enqueue_dma source(%dma_start3A_145 : memref<1x64xf32, #tpu.memory_space<hbm>>) target(%dma_start3A_143 : memref<1x64xf32, #tpu.memory_space<vmem>>) target_semaphore(%arg17 : memref<!tpu.dma_semaphore, #tpu.memory_space<semaphore_mem>>)
      %slice3A_146 = vector.extract_strided_slice %get3A_36 {offsets = [8], sizes = [1], strides = [1]} : vector<16xi32> to vector<1xi32>
      %squeeze3A_147 = vector.extract %slice3A_146[0] : i32 from vector<1xi32>
      %mul3A_148 = arith.constant 16 : i32
      %mul3A_149 = arith.muli %add3A_32, %mul3A_148 : i32
      %add3A_150 = arith.constant 8 : i32
      %add3A_151 = arith.addi %mul3A_149, %add3A_150 : i32
      %dma_start3A_152 = arith.constant 0 : i32
      %dma_start3A_153 = tpu.memref_slice %arg16[%add3A_151, %dma_start3A_152] : memref<128x64xf32, #tpu.memory_space<vmem>> -> memref<1x64xf32, #tpu.memory_space<vmem>>
      %dma_start3A_154 = arith.constant 0 : i32
      %dma_start3A_155 = tpu.memref_slice %arg7[%squeeze3A_147, %dma_start3A_154] : memref<100000x64xf32, #tpu.memory_space<hbm>> -> memref<1x64xf32, #tpu.memory_space<hbm>>
      %dma_start3A_156 = arith.constant 0 : i32
      %dma_start3A_157 = tpu.memref_slice %arg16[%add3A_151, %dma_start3A_156] : memref<128x64xf32, #tpu.memory_space<vmem>> -> memref<1x64xf32, #tpu.memory_space<vmem>>
      %dma_start3A_158 = arith.constant 0 : i32
      %dma_start3A_159 = tpu.memref_slice %arg7[%squeeze3A_147, %dma_start3A_158] : memref<100000x64xf32, #tpu.memory_space<hbm>> -> memref<1x64xf32, #tpu.memory_space<hbm>>
      tpu.enqueue_dma source(%dma_start3A_159 : memref<1x64xf32, #tpu.memory_space<hbm>>) target(%dma_start3A_157 : memref<1x64xf32, #tpu.memory_space<vmem>>) target_semaphore(%arg17 : memref<!tpu.dma_semaphore, #tpu.memory_space<semaphore_mem>>)
      %slice3A_160 = vector.extract_strided_slice %get3A_36 {offsets = [9], sizes = [1], strides = [1]} : vector<16xi32> to vector<1xi32>
      %squeeze3A_161 = vector.extract %slice3A_160[0] : i32 from vector<1xi32>
      %mul3A_162 = arith.constant 16 : i32
      %mul3A_163 = arith.muli %add3A_32, %mul3A_162 : i32
      %add3A_164 = arith.constant 9 : i32
      %add3A_165 = arith.addi %mul3A_163, %add3A_164 : i32
      %dma_start3A_166 = arith.constant 0 : i32
      %dma_start3A_167 = tpu.memref_slice %arg16[%add3A_165, %dma_start3A_166] : memref<128x64xf32, #tpu.memory_space<vmem>> -> memref<1x64xf32, #tpu.memory_space<vmem>>
      %dma_start3A_168 = arith.constant 0 : i32
      %dma_start3A_169 = tpu.memref_slice %arg7[%squeeze3A_161, %dma_start3A_168] : memref<100000x64xf32, #tpu.memory_space<hbm>> -> memref<1x64xf32, #tpu.memory_space<hbm>>
      %dma_start3A_170 = arith.constant 0 : i32
      %dma_start3A_171 = tpu.memref_slice %arg16[%add3A_165, %dma_start3A_170] : memref<128x64xf32, #tpu.memory_space<vmem>> -> memref<1x64xf32, #tpu.memory_space<vmem>>
      %dma_start3A_172 = arith.constant 0 : i32
      %dma_start3A_173 = tpu.memref_slice %arg7[%squeeze3A_161, %dma_start3A_172] : memref<100000x64xf32, #tpu.memory_space<hbm>> -> memref<1x64xf32, #tpu.memory_space<hbm>>
      tpu.enqueue_dma source(%dma_start3A_173 : memref<1x64xf32, #tpu.memory_space<hbm>>) target(%dma_start3A_171 : memref<1x64xf32, #tpu.memory_space<vmem>>) target_semaphore(%arg17 : memref<!tpu.dma_semaphore, #tpu.memory_space<semaphore_mem>>)
      %slice3A_174 = vector.extract_strided_slice %get3A_36 {offsets = [10], sizes = [1], strides = [1]} : vector<16xi32> to vector<1xi32>
      %squeeze3A_175 = vector.extract %slice3A_174[0] : i32 from vector<1xi32>
      %mul3A_176 = arith.constant 16 : i32
      %mul3A_177 = arith.muli %add3A_32, %mul3A_176 : i32
      %add3A_178 = arith.constant 10 : i32
      %add3A_179 = arith.addi %mul3A_177, %add3A_178 : i32
      %dma_start3A_180 = arith.constant 0 : i32
      %dma_start3A_181 = tpu.memref_slice %arg16[%add3A_179, %dma_start3A_180] : memref<128x64xf32, #tpu.memory_space<vmem>> -> memref<1x64xf32, #tpu.memory_space<vmem>>
      %dma_start3A_182 = arith.constant 0 : i32
      %dma_start3A_183 = tpu.memref_slice %arg7[%squeeze3A_175, %dma_start3A_182] : memref<100000x64xf32, #tpu.memory_space<hbm>> -> memref<1x64xf32, #tpu.memory_space<hbm>>
      %dma_start3A_184 = arith.constant 0 : i32
      %dma_start3A_185 = tpu.memref_slice %arg16[%add3A_179, %dma_start3A_184] : memref<128x64xf32, #tpu.memory_space<vmem>> -> memref<1x64xf32, #tpu.memory_space<vmem>>
      %dma_start3A_186 = arith.constant 0 : i32
      %dma_start3A_187 = tpu.memref_slice %arg7[%squeeze3A_175, %dma_start3A_186] : memref<100000x64xf32, #tpu.memory_space<hbm>> -> memref<1x64xf32, #tpu.memory_space<hbm>>
      tpu.enqueue_dma source(%dma_start3A_187 : memref<1x64xf32, #tpu.memory_space<hbm>>) target(%dma_start3A_185 : memref<1x64xf32, #tpu.memory_space<vmem>>) target_semaphore(%arg17 : memref<!tpu.dma_semaphore, #tpu.memory_space<semaphore_mem>>)
      %slice3A_188 = vector.extract_strided_slice %get3A_36 {offsets = [11], sizes = [1], strides = [1]} : vector<16xi32> to vector<1xi32>
      %squeeze3A_189 = vector.extract %slice3A_188[0] : i32 from vector<1xi32>
      %mul3A_190 = arith.constant 16 : i32
      %mul3A_191 = arith.muli %add3A_32, %mul3A_190 : i32
      %add3A_192 = arith.constant 11 : i32
      %add3A_193 = arith.addi %mul3A_191, %add3A_192 : i32
      %dma_start3A_194 = arith.constant 0 : i32
      %dma_start3A_195 = tpu.memref_slice %arg16[%add3A_193, %dma_start3A_194] : memref<128x64xf32, #tpu.memory_space<vmem>> -> memref<1x64xf32, #tpu.memory_space<vmem>>
      %dma_start3A_196 = arith.constant 0 : i32
      %dma_start3A_197 = tpu.memref_slice %arg7[%squeeze3A_189, %dma_start3A_196] : memref<100000x64xf32, #tpu.memory_space<hbm>> -> memref<1x64xf32, #tpu.memory_space<hbm>>
      %dma_start3A_198 = arith.constant 0 : i32
      %dma_start3A_199 = tpu.memref_slice %arg16[%add3A_193, %dma_start3A_198] : memref<128x64xf32, #tpu.memory_space<vmem>> -> memref<1x64xf32, #tpu.memory_space<vmem>>
      %dma_start3A_200 = arith.constant 0 : i32
      %dma_start3A_201 = tpu.memref_slice %arg7[%squeeze3A_189, %dma_start3A_200] : memref<100000x64xf32, #tpu.memory_space<hbm>> -> memref<1x64xf32, #tpu.memory_space<hbm>>
      tpu.enqueue_dma source(%dma_start3A_201 : memref<1x64xf32, #tpu.memory_space<hbm>>) target(%dma_start3A_199 : memref<1x64xf32, #tpu.memory_space<vmem>>) target_semaphore(%arg17 : memref<!tpu.dma_semaphore, #tpu.memory_space<semaphore_mem>>)
      %slice3A_202 = vector.extract_strided_slice %get3A_36 {offsets = [12], sizes = [1], strides = [1]} : vector<16xi32> to vector<1xi32>
      %squeeze3A_203 = vector.extract %slice3A_202[0] : i32 from vector<1xi32>
      %mul3A_204 = arith.constant 16 : i32
      %mul3A_205 = arith.muli %add3A_32, %mul3A_204 : i32
      %add3A_206 = arith.constant 12 : i32
      %add3A_207 = arith.addi %mul3A_205, %add3A_206 : i32
      %dma_start3A_208 = arith.constant 0 : i32
      %dma_start3A_209 = tpu.memref_slice %arg16[%add3A_207, %dma_start3A_208] : memref<128x64xf32, #tpu.memory_space<vmem>> -> memref<1x64xf32, #tpu.memory_space<vmem>>
      %dma_start3A_210 = arith.constant 0 : i32
      %dma_start3A_211 = tpu.memref_slice %arg7[%squeeze3A_203, %dma_start3A_210] : memref<100000x64xf32, #tpu.memory_space<hbm>> -> memref<1x64xf32, #tpu.memory_space<hbm>>
      %dma_start3A_212 = arith.constant 0 : i32
      %dma_start3A_213 = tpu.memref_slice %arg16[%add3A_207, %dma_start3A_212] : memref<128x64xf32, #tpu.memory_space<vmem>> -> memref<1x64xf32, #tpu.memory_space<vmem>>
      %dma_start3A_214 = arith.constant 0 : i32
      %dma_start3A_215 = tpu.memref_slice %arg7[%squeeze3A_203, %dma_start3A_214] : memref<100000x64xf32, #tpu.memory_space<hbm>> -> memref<1x64xf32, #tpu.memory_space<hbm>>
      tpu.enqueue_dma source(%dma_start3A_215 : memref<1x64xf32, #tpu.memory_space<hbm>>) target(%dma_start3A_213 : memref<1x64xf32, #tpu.memory_space<vmem>>) target_semaphore(%arg17 : memref<!tpu.dma_semaphore, #tpu.memory_space<semaphore_mem>>)
      %slice3A_216 = vector.extract_strided_slice %get3A_36 {offsets = [13], sizes = [1], strides = [1]} : vector<16xi32> to vector<1xi32>
      %squeeze3A_217 = vector.extract %slice3A_216[0] : i32 from vector<1xi32>
      %mul3A_218 = arith.constant 16 : i32
      %mul3A_219 = arith.muli %add3A_32, %mul3A_218 : i32
      %add3A_220 = arith.constant 13 : i32
      %add3A_221 = arith.addi %mul3A_219, %add3A_220 : i32
      %dma_start3A_222 = arith.constant 0 : i32
      %dma_start3A_223 = tpu.memref_slice %arg16[%add3A_221, %dma_start3A_222] : memref<128x64xf32, #tpu.memory_space<vmem>> -> memref<1x64xf32, #tpu.memory_space<vmem>>
      %dma_start3A_224 = arith.constant 0 : i32
      %dma_start3A_225 = tpu.memref_slice %arg7[%squeeze3A_217, %dma_start3A_224] : memref<100000x64xf32, #tpu.memory_space<hbm>> -> memref<1x64xf32, #tpu.memory_space<hbm>>
      %dma_start3A_226 = arith.constant 0 : i32
      %dma_start3A_227 = tpu.memref_slice %arg16[%add3A_221, %dma_start3A_226] : memref<128x64xf32, #tpu.memory_space<vmem>> -> memref<1x64xf32, #tpu.memory_space<vmem>>
      %dma_start3A_228 = arith.constant 0 : i32
      %dma_start3A_229 = tpu.memref_slice %arg7[%squeeze3A_217, %dma_start3A_228] : memref<100000x64xf32, #tpu.memory_space<hbm>> -> memref<1x64xf32, #tpu.memory_space<hbm>>
      tpu.enqueue_dma source(%dma_start3A_229 : memref<1x64xf32, #tpu.memory_space<hbm>>) target(%dma_start3A_227 : memref<1x64xf32, #tpu.memory_space<vmem>>) target_semaphore(%arg17 : memref<!tpu.dma_semaphore, #tpu.memory_space<semaphore_mem>>)
      %slice3A_230 = vector.extract_strided_slice %get3A_36 {offsets = [14], sizes = [1], strides = [1]} : vector<16xi32> to vector<1xi32>
      %squeeze3A_231 = vector.extract %slice3A_230[0] : i32 from vector<1xi32>
      %mul3A_232 = arith.constant 16 : i32
      %mul3A_233 = arith.muli %add3A_32, %mul3A_232 : i32
      %add3A_234 = arith.constant 14 : i32
      %add3A_235 = arith.addi %mul3A_233, %add3A_234 : i32
      %dma_start3A_236 = arith.constant 0 : i32
      %dma_start3A_237 = tpu.memref_slice %arg16[%add3A_235, %dma_start3A_236] : memref<128x64xf32, #tpu.memory_space<vmem>> -> memref<1x64xf32, #tpu.memory_space<vmem>>
      %dma_start3A_238 = arith.constant 0 : i32
      %dma_start3A_239 = tpu.memref_slice %arg7[%squeeze3A_231, %dma_start3A_238] : memref<100000x64xf32, #tpu.memory_space<hbm>> -> memref<1x64xf32, #tpu.memory_space<hbm>>
      %dma_start3A_240 = arith.constant 0 : i32
      %dma_start3A_241 = tpu.memref_slice %arg16[%add3A_235, %dma_start3A_240] : memref<128x64xf32, #tpu.memory_space<vmem>> -> memref<1x64xf32, #tpu.memory_space<vmem>>
      %dma_start3A_242 = arith.constant 0 : i32
      %dma_start3A_243 = tpu.memref_slice %arg7[%squeeze3A_231, %dma_start3A_242] : memref<100000x64xf32, #tpu.memory_space<hbm>> -> memref<1x64xf32, #tpu.memory_space<hbm>>
      tpu.enqueue_dma source(%dma_start3A_243 : memref<1x64xf32, #tpu.memory_space<hbm>>) target(%dma_start3A_241 : memref<1x64xf32, #tpu.memory_space<vmem>>) target_semaphore(%arg17 : memref<!tpu.dma_semaphore, #tpu.memory_space<semaphore_mem>>)
      %slice3A_244 = vector.extract_strided_slice %get3A_36 {offsets = [15], sizes = [1], strides = [1]} : vector<16xi32> to vector<1xi32>
      %squeeze3A_245 = vector.extract %slice3A_244[0] : i32 from vector<1xi32>
      %mul3A_246 = arith.constant 16 : i32
      %mul3A_247 = arith.muli %add3A_32, %mul3A_246 : i32
      %add3A_248 = arith.constant 15 : i32
      %add3A_249 = arith.addi %mul3A_247, %add3A_248 : i32
      %dma_start3A_250 = arith.constant 0 : i32
      %dma_start3A_251 = tpu.memref_slice %arg16[%add3A_249, %dma_start3A_250] : memref<128x64xf32, #tpu.memory_space<vmem>> -> memref<1x64xf32, #tpu.memory_space<vmem>>
      %dma_start3A_252 = arith.constant 0 : i32
      %dma_start3A_253 = tpu.memref_slice %arg7[%squeeze3A_245, %dma_start3A_252] : memref<100000x64xf32, #tpu.memory_space<hbm>> -> memref<1x64xf32, #tpu.memory_space<hbm>>
      %dma_start3A_254 = arith.constant 0 : i32
      %dma_start3A_255 = tpu.memref_slice %arg16[%add3A_249, %dma_start3A_254] : memref<128x64xf32, #tpu.memory_space<vmem>> -> memref<1x64xf32, #tpu.memory_space<vmem>>
      %dma_start3A_256 = arith.constant 0 : i32
      %dma_start3A_257 = tpu.memref_slice %arg7[%squeeze3A_245, %dma_start3A_256] : memref<100000x64xf32, #tpu.memory_space<hbm>> -> memref<1x64xf32, #tpu.memory_space<hbm>>
      tpu.enqueue_dma source(%dma_start3A_257 : memref<1x64xf32, #tpu.memory_space<hbm>>) target(%dma_start3A_255 : memref<1x64xf32, #tpu.memory_space<vmem>>) target_semaphore(%arg17 : memref<!tpu.dma_semaphore, #tpu.memory_space<semaphore_mem>>)
    }
    %scan3A_16 = arith.constant 8 : i32
    %dma_wait3A = arith.constant 0 : i32
    %dma_wait3A_17 = tpu.memref_slice %arg8[%mul3A_2, %dma_wait3A] : memref<4096x64xf32, #tpu.memory_space<hbm>> -> memref<128x64xf32, #tpu.memory_space<hbm>>
    %dma_wait3A_18 = arith.constant 0 : i32
    %dma_wait3A_19 = tpu.memref_slice %arg8[%mul3A_2, %dma_wait3A_18] : memref<4096x64xf32, #tpu.memory_space<hbm>> -> memref<128x64xf32, #tpu.memory_space<hbm>>
    tpu.wait_dma2 semaphore(%arg17 : memref<!tpu.dma_semaphore, #tpu.memory_space<semaphore_mem>>) src(%dma_wait3A_19 : memref<128x64xf32, #tpu.memory_space<hbm>>) dst(%arg14 : memref<128x64xf32, #tpu.memory_space<vmem>>)
    "tpu.region"() ({
      %run_scoped3A = tpu.sem_alloc : memref<!tpu.dma_semaphore, #tpu.memory_space<semaphore_mem>>
      %dma_start3A = arith.constant 0 : i32
      %dma_start3A_28 = tpu.memref_slice %arg8[%mul3A_2, %dma_start3A] : memref<4096x64xf32, #tpu.memory_space<hbm>> -> memref<128x64xf32, #tpu.memory_space<hbm>>
      %dma_start3A_29 = arith.constant 0 : i32
      %dma_start3A_30 = tpu.memref_slice %arg8[%mul3A_2, %dma_start3A_29] : memref<4096x64xf32, #tpu.memory_space<hbm>> -> memref<128x64xf32, #tpu.memory_space<hbm>>
      tpu.enqueue_dma source(%arg14 : memref<128x64xf32, #tpu.memory_space<vmem>>) target(%dma_start3A_30 : memref<128x64xf32, #tpu.memory_space<hbm>>) target_semaphore(%run_scoped3A : memref<!tpu.dma_semaphore, #tpu.memory_space<semaphore_mem>>)
      %dma_wait3A_31 = arith.constant 0 : i32
      %dma_wait3A_32 = tpu.memref_slice %arg8[%mul3A_2, %dma_wait3A_31] : memref<4096x64xf32, #tpu.memory_space<hbm>> -> memref<128x64xf32, #tpu.memory_space<hbm>>
      %dma_wait3A_33 = arith.constant 0 : i32
      %dma_wait3A_34 = tpu.memref_slice %arg8[%mul3A_2, %dma_wait3A_33] : memref<4096x64xf32, #tpu.memory_space<hbm>> -> memref<128x64xf32, #tpu.memory_space<hbm>>
      tpu.wait_dma2 semaphore(%run_scoped3A : memref<!tpu.dma_semaphore, #tpu.memory_space<semaphore_mem>>) src(%arg14 : memref<128x64xf32, #tpu.memory_space<vmem>>) dst(%dma_wait3A_34 : memref<128x64xf32, #tpu.memory_space<hbm>>)
      tpu.yield
    }) : () -> ()
    %dma_wait3A_20 = arith.constant 0 : i32
    %dma_wait3A_21 = tpu.memref_slice %arg9[%mul3A_2, %dma_wait3A_20] : memref<4096x64xf32, #tpu.memory_space<hbm>> -> memref<128x64xf32, #tpu.memory_space<hbm>>
    %dma_wait3A_22 = arith.constant 0 : i32
    %dma_wait3A_23 = tpu.memref_slice %arg9[%mul3A_2, %dma_wait3A_22] : memref<4096x64xf32, #tpu.memory_space<hbm>> -> memref<128x64xf32, #tpu.memory_space<hbm>>
    tpu.wait_dma2 semaphore(%arg17 : memref<!tpu.dma_semaphore, #tpu.memory_space<semaphore_mem>>) src(%dma_wait3A_23 : memref<128x64xf32, #tpu.memory_space<hbm>>) dst(%arg15 : memref<128x64xf32, #tpu.memory_space<vmem>>)
    "tpu.region"() ({
      %run_scoped3A = tpu.sem_alloc : memref<!tpu.dma_semaphore, #tpu.memory_space<semaphore_mem>>
      %dma_start3A = arith.constant 0 : i32
      %dma_start3A_28 = tpu.memref_slice %arg9[%mul3A_2, %dma_start3A] : memref<4096x64xf32, #tpu.memory_space<hbm>> -> memref<128x64xf32, #tpu.memory_space<hbm>>
      %dma_start3A_29 = arith.constant 0 : i32
      %dma_start3A_30 = tpu.memref_slice %arg9[%mul3A_2, %dma_start3A_29] : memref<4096x64xf32, #tpu.memory_space<hbm>> -> memref<128x64xf32, #tpu.memory_space<hbm>>
      tpu.enqueue_dma source(%arg15 : memref<128x64xf32, #tpu.memory_space<vmem>>) target(%dma_start3A_30 : memref<128x64xf32, #tpu.memory_space<hbm>>) target_semaphore(%run_scoped3A : memref<!tpu.dma_semaphore, #tpu.memory_space<semaphore_mem>>)
      %dma_wait3A_31 = arith.constant 0 : i32
      %dma_wait3A_32 = tpu.memref_slice %arg9[%mul3A_2, %dma_wait3A_31] : memref<4096x64xf32, #tpu.memory_space<hbm>> -> memref<128x64xf32, #tpu.memory_space<hbm>>
      %dma_wait3A_33 = arith.constant 0 : i32
      %dma_wait3A_34 = tpu.memref_slice %arg9[%mul3A_2, %dma_wait3A_33] : memref<4096x64xf32, #tpu.memory_space<hbm>> -> memref<128x64xf32, #tpu.memory_space<hbm>>
      tpu.wait_dma2 semaphore(%run_scoped3A : memref<!tpu.dma_semaphore, #tpu.memory_space<semaphore_mem>>) src(%arg15 : memref<128x64xf32, #tpu.memory_space<vmem>>) dst(%dma_wait3A_34 : memref<128x64xf32, #tpu.memory_space<hbm>>)
      tpu.yield
    }) : () -> ()
    %dma_wait3A_24 = arith.constant 0 : i32
    %dma_wait3A_25 = tpu.memref_slice %arg10[%mul3A_2, %dma_wait3A_24] : memref<4096x64xf32, #tpu.memory_space<hbm>> -> memref<128x64xf32, #tpu.memory_space<hbm>>
    %dma_wait3A_26 = arith.constant 0 : i32
    %dma_wait3A_27 = tpu.memref_slice %arg10[%mul3A_2, %dma_wait3A_26] : memref<4096x64xf32, #tpu.memory_space<hbm>> -> memref<128x64xf32, #tpu.memory_space<hbm>>
    tpu.wait_dma2 semaphore(%arg17 : memref<!tpu.dma_semaphore, #tpu.memory_space<semaphore_mem>>) src(%dma_wait3A_27 : memref<128x64xf32, #tpu.memory_space<hbm>>) dst(%arg16 : memref<128x64xf32, #tpu.memory_space<vmem>>)
    "tpu.region"() ({
      %run_scoped3A = tpu.sem_alloc : memref<!tpu.dma_semaphore, #tpu.memory_space<semaphore_mem>>
      %dma_start3A = arith.constant 0 : i32
      %dma_start3A_28 = tpu.memref_slice %arg10[%mul3A_2, %dma_start3A] : memref<4096x64xf32, #tpu.memory_space<hbm>> -> memref<128x64xf32, #tpu.memory_space<hbm>>
      %dma_start3A_29 = arith.constant 0 : i32
      %dma_start3A_30 = tpu.memref_slice %arg10[%mul3A_2, %dma_start3A_29] : memref<4096x64xf32, #tpu.memory_space<hbm>> -> memref<128x64xf32, #tpu.memory_space<hbm>>
      tpu.enqueue_dma source(%arg16 : memref<128x64xf32, #tpu.memory_space<vmem>>) target(%dma_start3A_30 : memref<128x64xf32, #tpu.memory_space<hbm>>) target_semaphore(%run_scoped3A : memref<!tpu.dma_semaphore, #tpu.memory_space<semaphore_mem>>)
      %dma_wait3A_31 = arith.constant 0 : i32
      %dma_wait3A_32 = tpu.memref_slice %arg10[%mul3A_2, %dma_wait3A_31] : memref<4096x64xf32, #tpu.memory_space<hbm>> -> memref<128x64xf32, #tpu.memory_space<hbm>>
      %dma_wait3A_33 = arith.constant 0 : i32
      %dma_wait3A_34 = tpu.memref_slice %arg10[%mul3A_2, %dma_wait3A_33] : memref<4096x64xf32, #tpu.memory_space<hbm>> -> memref<128x64xf32, #tpu.memory_space<hbm>>
      tpu.wait_dma2 semaphore(%run_scoped3A : memref<!tpu.dma_semaphore, #tpu.memory_space<semaphore_mem>>) src(%arg16 : memref<128x64xf32, #tpu.memory_space<vmem>>) dst(%dma_wait3A_34 : memref<128x64xf32, #tpu.memory_space<hbm>>)
      tpu.yield
    }) : () -> ()
    return
  }
}

module attributes {stable_mosaic.version = 14 : i64} {
  func.func @_mlp_body(%arg0: i32, %arg1: memref<512x64xf32, #tpu.memory_space<vmem>>, %arg2: memref<512x64xf32, #tpu.memory_space<vmem>>, %arg3: memref<512x64xf32, #tpu.memory_space<vmem>>, %arg4: memref<512x64xf32, #tpu.memory_space<vmem>>, %arg5: memref<512x64xf32, #tpu.memory_space<vmem>>, %arg6: memref<320x128xf32, #tpu.memory_space<vmem>>, %arg7: memref<1x128xf32, #tpu.memory_space<vmem>>, %arg8: memref<128x64xf32, #tpu.memory_space<vmem>>, %arg9: memref<1x64xf32, #tpu.memory_space<vmem>>, %arg10: memref<512x64xf32, #tpu.memory_space<vmem>>) attributes {dimension_semantics = [#tpu.dimension_semantics<parallel>], iteration_bounds = array<i64: 8>, scalar_prefetch = 0 : i64, scratch_operands = 0 : i64, tpu.core_type = #tpu.core_type<tc>, window_params = [{transform_indices = @transform_0, window_bounds = array<i64: 512, 64>}, {transform_indices = @transform_1, window_bounds = array<i64: 512, 64>}, {transform_indices = @transform_2, window_bounds = array<i64: 512, 64>}, {transform_indices = @transform_3, window_bounds = array<i64: 512, 64>}, {transform_indices = @transform_4, window_bounds = array<i64: 512, 64>}, {pipeline_mode = #tpu.pipeline_mode<synchronous>, transform_indices = @transform_5, window_bounds = array<i64: 320, 128>}, {pipeline_mode = #tpu.pipeline_mode<synchronous>, transform_indices = @transform_6, window_bounds = array<i64: 1, 128>}, {pipeline_mode = #tpu.pipeline_mode<synchronous>, transform_indices = @transform_7, window_bounds = array<i64: 128, 64>}, {pipeline_mode = #tpu.pipeline_mode<synchronous>, transform_indices = @transform_8, window_bounds = array<i64: 1, 64>}, {transform_indices = @transform_9, window_bounds = array<i64: 512, 64>}]} {
    %get3A = arith.constant 0 : index
    %get3A_0 = arith.constant 0 : index
    %get3A_1 = vector.load %arg1[%get3A, %get3A_0] : memref<512x64xf32, #tpu.memory_space<vmem>>, vector<512x64xf32>
    %get3A_2 = arith.constant 0 : index
    %get3A_3 = arith.constant 0 : index
    %get3A_4 = vector.load %arg2[%get3A_2, %get3A_3] : memref<512x64xf32, #tpu.memory_space<vmem>>, vector<512x64xf32>
    %get3A_5 = arith.constant 0 : index
    %get3A_6 = arith.constant 0 : index
    %get3A_7 = vector.load %arg3[%get3A_5, %get3A_6] : memref<512x64xf32, #tpu.memory_space<vmem>>, vector<512x64xf32>
    %get3A_8 = arith.constant 0 : index
    %get3A_9 = arith.constant 0 : index
    %get3A_10 = vector.load %arg4[%get3A_8, %get3A_9] : memref<512x64xf32, #tpu.memory_space<vmem>>, vector<512x64xf32>
    %get3A_11 = arith.constant 0 : index
    %get3A_12 = arith.constant 0 : index
    %get3A_13 = vector.load %arg5[%get3A_11, %get3A_12] : memref<512x64xf32, #tpu.memory_space<vmem>>, vector<512x64xf32>
    %concatenate3A = tpu.concatenate %get3A_1, %get3A_4, %get3A_7, %get3A_10, %get3A_13 in 1 : vector<512x64xf32>, vector<512x64xf32>, vector<512x64xf32>, vector<512x64xf32>, vector<512x64xf32> -> vector<512x320xf32>
    %get3A_14 = arith.constant 0 : index
    %get3A_15 = arith.constant 0 : index
    %get3A_16 = vector.load %arg6[%get3A_14, %get3A_15] : memref<320x128xf32, #tpu.memory_space<vmem>>, vector<320x128xf32>
    %dot_general3A = arith.constant dense<0.000000e+00> : vector<512x128xf32>
    %dot_general3A_17 = tpu.matmul %concatenate3A, %get3A_16, %dot_general3A {dimension_numbers = #tpu.dot_dimension_numbers<[1], [0], [0], [1], [0, 0, 1, 1], [], []>, transpose_lhs_hint = false} : vector<512x320xf32>, vector<320x128xf32>, vector<512x128xf32> -> vector<512x128xf32>
    %get3A_18 = arith.constant 0 : index
    %get3A_19 = arith.constant 0 : index
    %get3A_20 = vector.load %arg7[%get3A_18, %get3A_19] : memref<1x128xf32, #tpu.memory_space<vmem>>, vector<1x128xf32>
    %add3A = vector.broadcast %get3A_20 : vector<1x128xf32> to vector<512x128xf32>
    %add3A_21 = arith.addf %dot_general3A_17, %add3A : vector<512x128xf32>
    %max3A = arith.constant 0.000000e+00 : f32
    %max3A_22 = vector.broadcast %max3A : f32 to vector<512x128xf32>
    %max3A_23 = arith.maximumf %add3A_21, %max3A_22 : vector<512x128xf32>
    %get3A_24 = arith.constant 0 : index
    %get3A_25 = arith.constant 0 : index
    %get3A_26 = vector.load %arg8[%get3A_24, %get3A_25] : memref<128x64xf32, #tpu.memory_space<vmem>>, vector<128x64xf32>
    %dot_general3A_27 = arith.constant dense<0.000000e+00> : vector<512x64xf32>
    %dot_general3A_28 = tpu.matmul %max3A_23, %get3A_26, %dot_general3A_27 {dimension_numbers = #tpu.dot_dimension_numbers<[1], [0], [0], [1], [0, 0, 1, 1], [], []>, transpose_lhs_hint = false} : vector<512x128xf32>, vector<128x64xf32>, vector<512x64xf32> -> vector<512x64xf32>
    %get3A_29 = arith.constant 0 : index
    %get3A_30 = arith.constant 0 : index
    %get3A_31 = vector.load %arg9[%get3A_29, %get3A_30] : memref<1x64xf32, #tpu.memory_space<vmem>>, vector<1x64xf32>
    %add3A_32 = vector.broadcast %get3A_31 : vector<1x64xf32> to vector<512x64xf32>
    %add3A_33 = arith.addf %dot_general3A_28, %add3A_32 : vector<512x64xf32>
    %max3A_34 = arith.constant 0.000000e+00 : f32
    %max3A_35 = vector.broadcast %max3A_34 : f32 to vector<512x64xf32>
    %max3A_36 = arith.maximumf %add3A_33, %max3A_35 : vector<512x64xf32>
    %swap3A = arith.constant 0 : index
    %swap3A_37 = arith.constant 0 : index
    %swap3A_38 = vector.load %arg10[%swap3A, %swap3A_37] : memref<512x64xf32, #tpu.memory_space<vmem>>, vector<512x64xf32>
    tpu.vector_store %arg10[%swap3A, %swap3A_37], %max3A_36 {strides = array<i32>} : memref<512x64xf32, #tpu.memory_space<vmem>>, vector<512x64xf32>,
    return
  }
  func.func @transform_0(%arg0: i32) -> (i32, i32) {
    %c0_i32 = arith.constant 0 : i32
    %c0_i32_0 = arith.constant 0 : i32
    return %arg0, %c0_i32 : i32, i32
  }
  func.func @transform_1(%arg0: i32) -> (i32, i32) {
    %c0_i32 = arith.constant 0 : i32
    %c0_i32_0 = arith.constant 0 : i32
    return %arg0, %c0_i32 : i32, i32
  }
  func.func @transform_2(%arg0: i32) -> (i32, i32) {
    %c0_i32 = arith.constant 0 : i32
    %c0_i32_0 = arith.constant 0 : i32
    return %arg0, %c0_i32 : i32, i32
  }
  func.func @transform_3(%arg0: i32) -> (i32, i32) {
    %c0_i32 = arith.constant 0 : i32
    %c0_i32_0 = arith.constant 0 : i32
    return %arg0, %c0_i32 : i32, i32
  }
  func.func @transform_4(%arg0: i32) -> (i32, i32) {
    %c0_i32 = arith.constant 0 : i32
    %c0_i32_0 = arith.constant 0 : i32
    return %arg0, %c0_i32 : i32, i32
  }
  func.func @transform_5(%arg0: i32) -> (i32, i32) {
    %c0_i32 = arith.constant 0 : i32
    %c0_i32_0 = arith.constant 0 : i32
    %c0_i32_1 = arith.constant 0 : i32
    return %c0_i32, %c0_i32_0 : i32, i32
  }
  func.func @transform_6(%arg0: i32) -> (i32, i32) {
    %c0_i32 = arith.constant 0 : i32
    %c0_i32_0 = arith.constant 0 : i32
    %c0_i32_1 = arith.constant 0 : i32
    return %c0_i32, %c0_i32_0 : i32, i32
  }
  func.func @transform_7(%arg0: i32) -> (i32, i32) {
    %c0_i32 = arith.constant 0 : i32
    %c0_i32_0 = arith.constant 0 : i32
    %c0_i32_1 = arith.constant 0 : i32
    return %c0_i32, %c0_i32_0 : i32, i32
  }
  func.func @transform_8(%arg0: i32) -> (i32, i32) {
    %c0_i32 = arith.constant 0 : i32
    %c0_i32_0 = arith.constant 0 : i32
    %c0_i32_1 = arith.constant 0 : i32
    return %c0_i32, %c0_i32_0 : i32, i32
  }
  func.func @transform_9(%arg0: i32) -> (i32, i32) {
    %c0_i32 = arith.constant 0 : i32
    %c0_i32_0 = arith.constant 0 : i32
    return %arg0, %c0_i32 : i32, i32
  }
}

</mosaic_0001>

<sc_bundles>
// kernel: kernel.5.cloned.1.call-start
scs
__scs_entry_jumppad:
0x0: {  	(pc) =	sbr.rel $0x88, $3  }
0x1: {  	(tag) =	ssettag $0x0;
	lr =	simm.s32 $0x1  }
0x2: {  	[smem:$0x3F94] =	sst lr;
	_ =	strace $0xD0000000  }
0x3: {  	_ = 	snop  }
0x4: {  	_ = 	snop  }
0x5: {  	_ = 	snop  }
0x6: {  	_ = 	snop  }
0x7: {  	_ = 	snop  }
__scs_overlays_trampoline_lowered:
0x8: {  	[smem:$0x3FA3] =	sst s0  }
0x9: {  	[smem:$0x3FA4] =	sst s1  }
0xa: {  	[smem:$0x3FA5] =	sst s2  }
0xb: {  	[smem:$0x3FA6] =	sst s3  }
0xc: {  	[smem:$0x3FA7] =	sst s4  }
0xd: {  	[smem:$0x3FA8] =	sst s5  }
0xe: {  	[smem:$0x3FA9] =	sst s6  }
0xf: {  	[smem:$0x3FAA] =	sst s7  }
0x10: {  	[smem:$0x3FAB] =	sst s8  }
0x11: {  	[smem:$0x3FAC] =	sst s9;
	s0 =	simm.s32 @!p0 $0x0  }
0x12: {  	s1 =	sld [smem:$0x3F92];
	s0 =	simm.s32 @p0 $0x1  }
0x13: {  	[smem:$0x3FAD] =	sst s0;
	s0 =	simm.s32 @!p1 $0x0  }
0x14: {  	s2 =	sld [smem:$0x3F91];
	s0 =	simm.s32 @p1 $0x1  }
0x15: {  	[smem:$0x3FAE] =	sst s0;
	s0 =	simm.s32 @!p2 $0x0  }
0x16: {  	s3 =	sld [smem:$0x3FDB];
	s0 =	simm.s32 @p2 $0x1  }
0x17: {  	s4 =	simm.s32 $0x1BF5;
	[smem:$0x3FB0] =	sst s0  }
0x18: {  	s0 =	sld [smem:$0x3F93];
	_ =	swait.ge [sflag:s4], $0x0  }
0x19: {  	s7 =	sld [smem:$0x3F94]  }
0x1a: {  	s8 =	sadd.s32 $0xFFFFE003, lr  }
0x1b: {  	s9 =	sadd.s32 $0xFFFFFEF7, lr;
	s5 =	simm.s32 $0xFFFFFFFF;
	p2 =	slt.u32 s8, $0xFFFFF086  }
0x1c: {  	p1 =	slt.u32 s9, $0xF7A;
	s5 =	simm.s32 @!p2 $0x0  }
0x1d: {  	s5 =	simm.s32 @p1 $0x1;
	p0 =	seq.s32 s7, s2  }
0x1e: {  	s7 =	smul.u32 @!p0 $0xF7A, s2;
	p2 =	seq.s32 @!p0 s5, $0x0  }
0x1f: {  	s9 =	smul.u32 $0xF7A, s1;
	s8 =	simm.s32 @!p0 $0x1BF5;
	p2 =	por !p2, p0  }
0x20: {  	[sflag:s8] =	ssyncset.s32 @!p0 $0xFFFFF086;
	s6 =	sadd.s32 @!p0 s3, s7;
	s7 =	simm.s32 @!p0 $0x108  }
0x21: {  	s3 =	sadd.s32 s3, s9;
	s6 =	sadd.s32 @!p0 $0x88, s6;
	s7 =	simm.s32 @p2 $0x1082  }
0x22: {  	[simem:s7], [sflag:s8] =	dma.local @!p0 [hbm:s6], $0xF7A  }
0x23: {  	s9 =	sor.u32 $0xD0000000, s2;
	s6 =	simm.s32 $0x108;
	_ =	swait.ge @!p0 [sflag:s8], $0x0  }
0x24: {  	s3 =	sadd.s32 $0x88, s3;
	s6 =	simm.s32 @!p1 $0x1082;
	[sflag:s4] =	ssyncset.s32 $0xFFFFF086  }
0x25: {  	[simem:s6], [sflag:s4] =	dma.local [hbm:s3], $0xF7A  }
0x26: {  	[smem:$0x3F94] =	sst s1;
	(tag) =	ssettag s2;
	_ =	strace s9  }
0x27: {  	s1 =	sld [smem:$0x3FA4]  }
0x28: {  	s2 =	sld [smem:$0x3FA5]  }
0x29: {  	s4 =	sld [smem:$0x3FA7]  }
0x2a: {  	p0 =	seq.s32 s5, $0x0;
	s5 =	sld [smem:$0x3FA8]  }
0x2b: {  	s6 =	sld [smem:$0x3FA9]  }
0x2c: {  	s7 =	sld [smem:$0x3FAA]  }
0x2d: {  	s3 =	simm.s32 $0x108;
	s8 =	sld [smem:$0x3FAB]  }
0x2e: {  	s3 =	simm.s32 @!p0 $0x1082;
	s9 =	sld [smem:$0x3FAC]  }
0x2f: {  	lr =	sadd.s32 s0, s3;
	s0 =	sld [smem:$0x3FA3]  }
0x30: {  	s3 =	sld [smem:$0x3FA6]  }
0x31: {  	[smem:$0x3FAF] =	sst s10  }
0x32: {  	s10 =	sld [smem:$0x3FAD];
	_ =	sdelay $0x3  }
0x33: {  	p0 =	seq.s32 s10, $0x1;
	s10 =	sld [smem:$0x3FAF];
	_ =	sdelay $0x3  }
0x34: {  	[smem:$0x3FAF] =	sst s10  }
0x35: {  	s10 =	sld [smem:$0x3FAE];
	_ =	sdelay $0x3  }
0x36: {  	p1 =	seq.s32 s10, $0x1;
	s10 =	sld [smem:$0x3FAF];
	_ =	sdelay $0x3  }
0x37: {  	[smem:$0x3FAF] =	sst s10  }
0x38: {  	s10 =	sld [smem:$0x3FB0]  }
0x39: {  	_ = 	snop;
	(pc) =	sbr.ind lr, $3  }
0x3a: {  	_ = 	snop  }
0x3b: {  	_ = 	snop  }
0x3c: {  	p2 =	seq.s32 s10, $0x1;
	s10 =	sld [smem:$0x3FAF]  }
0x3d: {  	_ =	shalt  }
0x3e: {  	_ =	shalt  }
0x3f: {  	_ =	shalt  }
0x40: {  	_ =	shalt  }
0x41: {  	_ =	shalt  }
0x42: {  	_ =	shalt  }
0x43: {  	_ =	shalt  }
0x44: {  	_ =	shalt  }
0x45: {  	_ =	shalt  }
0x46: {  	_ =	shalt  }
0x47: {  	_ =	shalt  }
0x48: {  	_ =	shalt  }
0x49: {  	_ =	shalt  }
0x4a: {  	_ =	shalt  }
0x4b: {  	_ =	shalt  }
0x4c: {  	_ =	shalt  }
0x4d: {  	_ =	shalt  }
0x4e: {  	_ =	shalt  }
0x4f: {  	_ =	shalt  }
0x50: {  	_ =	shalt  }
0x51: {  	_ =	shalt  }
0x52: {  	_ =	shalt  }
0x53: {  	_ =	shalt  }
0x54: {  	_ =	shalt  }
0x55: {  	_ =	shalt  }
0x56: {  	_ =	shalt  }
0x57: {  	_ =	shalt  }
0x58: {  	_ =	shalt  }
0x59: {  	_ =	shalt  }
0x5a: {  	_ =	shalt  }
0x5b: {  	_ =	shalt  }
0x5c: {  	_ =	shalt  }
0x5d: {  	_ =	shalt  }
0x5e: {  	_ =	shalt  }
0x5f: {  	_ =	shalt  }
0x60: {  	_ =	shalt  }
0x61: {  	_ =	shalt  }
0x62: {  	_ =	shalt  }
0x63: {  	_ =	shalt  }
0x64: {  	_ =	shalt  }
0x65: {  	_ =	shalt  }
0x66: {  	_ =	shalt  }
0x67: {  	_ =	shalt  }
0x68: {  	_ =	shalt  }
0x69: {  	_ =	shalt  }
0x6a: {  	_ =	shalt  }
0x6b: {  	_ =	shalt  }
0x6c: {  	_ =	shalt  }
0x6d: {  	_ =	shalt  }
0x6e: {  	_ =	shalt  }
0x6f: {  	_ =	shalt  }
0x70: {  	_ =	shalt  }
0x71: {  	_ =	shalt  }
0x72: {  	_ =	shalt  }
0x73: {  	_ =	shalt  }
0x74: {  	_ =	shalt  }
0x75: {  	_ =	shalt  }
0x76: {  	_ =	shalt  }
0x77: {  	_ =	shalt  }
0x78: {  	_ =	shalt  }
0x79: {  	_ =	shalt  }
0x7a: {  	_ =	shalt  }
0x7b: {  	_ =	shalt  }
0x7c: {  	_ =	shalt  }
0x7d: {  	_ =	shalt  }
0x7e: {  	_ =	shalt  }
0x7f: {  	_ =	shalt  }
0x80: {  	_ =	shalt  }
0x81: {  	_ =	shalt  }
0x82: {  	_ =	shalt  }
0x83: {  	_ =	shalt  }
0x84: {  	_ =	shalt  }
0x85: {  	_ =	shalt  }
0x86: {  	_ =	shalt  }
0x87: {  	_ =	shalt  }
.Lfunc_end0:
.L_simem_size_0:
called_computation_lowered:
.L_overlay_start_0:
0x88: {  	s2 =	sld [smem:$0x3FD9]  }
0x89: {  	s3 =	sld [smem:$0x3FFE];
	_ =	sdelay $0x1  }
0x8a: {  	s1 =	srdreg.scid  }
0x8b: {  	s0 =	sand.u32 $0x1, s1  }
0x8c: {  	s17 =	sshll.u32 s0, $0xA;
	s2 =	sadd.s32 s3, s2  }
0x8d: {  	s2 =	sadd.s32 s2, s17  }
0x8e: {  	[smem:$0x3FBB] =	sst s2  }
0x8f: {  	_ = 	snop  }
0x90: {  	s4 =	sld [smem:$0x3FC7]  }
0x91: {  	s5 =	sld [smem:$0x3FC6]  }
0x92: {  	s6 =	sld [smem:$0x3FC5]  }
0x93: {  	s18 =	sld [smem:$0x3FC2]  }
0x94: {  	s7 =	sld [smem:$0x3FD0];
	(tm) =	ssettm $0x1  }
0x95: {  	s19 =	sld [smem:$0x3FFB];
	_ =	sdelay $0x3  }
0x96: {  	_ =	strace s19  }
0x97: {  	s2 =	sld [smem:$0x3FFC];
	_ =	sdelay $0x3  }
0x98: {  	_ =	strace s2  }
0x99: {  	s2 =	sld [smem:$0x3FFD];
	_ =	sdelay $0x3  }
0x9a: {  	_ =	strace s2  }
0x9b: {  	_ =	strace $0x8FFFFFFF  }
0x9c: {  	s20 =	sld [smem:$0x3FDB];
	_ =	sdelay $0x1  }
0x9d: {  	s8 =	simm.s32 $_scs_section_size  }
0x9e: {  	s9 =	simm.s32 $_size__tile_overlayer_lowered;
	s10 =	simm.s32 $_tile_overlayer_lowered  }
0x9f: {  	s11 =	simm.s32 $0x1BFF;
	s21 =	sshll.u32 s10, $0x1;
	s8 =	sadd.s32 s8, s20  }
0xa0: {  	s22 =	simm.s32 $0x0;
	s9 =	sshll.u32 s9, $0x1;
	s10 =	sadd.s32 s21, s8  }
0xa1: {  	[timem:s22], [sflag:s11] =	dma.local [hbm:s10], s9  }
0xa2: {  	_ =	swait.ge [sflag:s11], s9  }
0xa3: {  	s9 =	ssub.s32 $0x0, s9;
	[sflag:s11] =	ssyncset.done $0x0  }
0xa4: {  	[sflag:s11] =	ssyncadd.s32 s9;
	_ =	sdelay $0x1  }
0xa5: {  	s23 =	simm.s32 $0x1B8B  }
0xa6: {  	_ =	swait.ge [sflag:s23], $0x1  }
0xa7: {  	[sflag:s23] =	ssyncset.done $0x0  }
0xa8: {  	[sflag:s23] =	ssyncadd.s32 $0xFFFFFFFF  }
0xa9: {  	s9 =	sld [smem:$0x0]  }
0xaa: {  	s10 =	sand.u32 $0xFFFFFFFE, s1  }
0xab: {  	p0 =	sne.s32 s1, s10  }
0xac: {  	s10 =	sshll.u32 @p0 s10, $0xE  }
0xad: {  	s10 =	sadd.s32 @p0 $0x11B8D, s10;
	s11 =	sshll.u32 @p0 s9, $0x11  }
0xae: {  	s10 =	sor.u32 @p0 s11, s10  }
0xaf: {  	[sflag:s10] =	ssyncadd.remote.s32 @p0 $0x1;
	_ =	sdelay $0x1  }
0xb0: {  	s10 =	simm.s32 @p0 $0x1B8D  }
0xb1: {  	_ =	swait.eq @p0 [sflag:s10], $0x1  }
0xb2: {  	[sflag:s10] =	ssyncadd.s32 @p0 $0xFFFFFFFF  }
0xb3: {  	s11 =	sshll.u32 @!p0 s1, $0xE  }
0xb4: {  	s11 =	sor.u32 @!p0 $0x4000, s11;
	s10 =	simm.s32 @!p0 $0x1B8D  }
0xb5: {  	s9 =	sshll.u32 @!p0 s9, $0x11;
	s11 =	sadd.s32 @!p0 $0x11B8D, s11;
	_ =	swait.eq @!p0 [sflag:s10], $0x1  }
0xb6: {  	s9 =	sor.u32 @!p0 s9, s11;
	[sflag:s10] =	ssyncadd.s32 @!p0 $0xFFFFFFFF  }
0xb7: {  	s25 =	simm.s32 $0x1B8E;
	s24 =	sld [smem:$0x3FFE];
	[sflag:s9] =	ssyncadd.remote.s32 @!p0 $0x1  }
0xb8: {  	s26 =	simm.s32 $execute0_lowered;
	[smem:$0x3FD2] =	sst s25  }
0xb9: {  	s10 =	sshll.u32 s26, $0x1;
	_ =	strace $0x80000049;
	[dreg:$0x1] =	wrdreg $0xFFFFFFFF  }
0xba: {  	s28 =	simm.s32 $_size_execute0_lowered;
	s8 =	sadd.s32 s8, s10;
	[dreg:$0x0] =	wrdreg $0x0  }
0xbb: {  	s10 =	sshll.u32 s28, $0x1;
	[dreg:$0x2] =	wrdreg s8  }
0xbc: {  	[dreg:$0x3] =	wrdreg s10  }
0xbd: {  	[dreg:$0x4] =	wrdreg $0xC0  }
0xbe: {  	_ =	task [dreg:s22], $0x5FFFF  }
0xbf: {  	[dreg:$0x1] =	wrdreg $0xFFFFFFFF  }
0xc0: {  	[dreg:$0x0] =	wrdreg $0x60  }
0xc1: {  	[dreg:$0x2] =	wrdreg s4  }
0xc2: {  	[dreg:$0x3] =	wrdreg s5  }
0xc3: {  	[dreg:$0x4] =	wrdreg s6  }
0xc4: {  	[dreg:$0x5] =	wrdreg s7  }
0xc5: {  	[dreg:$0x6] =	wrdreg s18  }
0xc6: {  	[dreg:$0x7] =	wrdreg s24  }
0xc7: {  	[dreg:$0x8] =	wrdreg $0x9  }
0xc8: {  	_ =	task.clear_ibuf [dreg:s22], $0x9FFFF;
	_ =	strace $0x90000049  }
0xc9: {  	s29 =	simm.s32 $0x9;
	_ =	strace $0x8000004B  }
0xca: {  	_ =	swait.ge [sflag:s29], $0x1  }
0xcb: {  	[sflag:s29] =	ssyncadd.s32 $0xFFFFFFFF  }
0xcc: {  	_ =	strace $0x9000004B  }
0xcd: {  	_ =	sfence  }
0xce: {  	s30 =	sld [smem:$0x0];
	_ =	sdelay $0x2  }
0xcf: {  	s31 =	sshll.u32 s1, $0xD;
	s1 =	sshrl.u32 s1, $0x2  }
0xd0: {  	s4 =	sand.u32 $0x4000, s31;
	s1 =	sadd.s32 s1, s30  }
0xd1: {  	s0 =	sor.u32 s4, s0;
	s1 =	sshll.u32 s1, $0x11  }
0xd2: {  	s0 =	sor.u32 s1, s0  }
0xd3: {  	s0 =	sadd.s32 $0x8F2B, s0  }
0xd4: {  	[sflag:s0] =	ssyncadd.remote.s32 $0x1  }
0xd5: {  	_ =	sfence.sel $0xFFFF  }
0xd6: {  	[dreg:$0x0] =	wrdreg $0xFFFFFFFF;
	(pc) =	sbr.abs _section_cstart, $3  }
0xd7: {  	[dreg:$0x1] =	wrdreg $0xFFFFFFFF  }
0xd8: {  	_ =	task.clear_ibuf [dreg:s22], $0x2FFFF;
	_ =	strace $0x9FFFFFFF  }
0xd9: {  	(tm) =	ssettm $0x7FFFFFFF  }
tec
execute0_lowered:
.L_overlay_start_1:
0x0: {  	(tag) =	ssettag $0x1  }
0x1: {  	s0 =	rddreg [dreg:$0x0]  }
0x2: {  	s3 =	rddreg [dreg:$0x1]  }
0x3: {  	s9 =	rddreg [dreg:$0x2]  }
0x4: {  	s1 =	rddreg [dreg:$0x3]  }
0x5: {  	s2 =	rddreg [dreg:$0x4]  }
0x6: {  	s6 =	rddreg [dreg:$0x5]  }
0x7: {  	s5 =	srdreg.scid;
	s4 =	simm.s32 $0x0;
	s7 =	stileid.u32  }
0x8: {  	s16 =	simm.s32 $0x1;
	s20 =	simm.s32 $0x0;
	s5 =	sand.u32 $0x1, s5  }
0x9: {  	[smem:$0x7FF] =	sst s4;
	s7 =	sshll.u32 s7, $0x8;
	s8 =	sshll.u32 s5, $0x7  }
0xa: {  	_ =	strace $0x8000004A;
	s26 =	ssub.s32 $0x2, s5;
	s7 =	sor.u32 s8, s7  }
0xb: {  	s5 =	sadd.s32 $0xF54400, s6;
	s11 =	sshrl.u32 s26, $0x1;
	s28 =	sshrl.u32 s7, $0x3  }
0xc: {  	s10 =	sshll.u32 s7, $0x4;
	s13 =	ssub.s32 s26, s11;
	s0 =	sadd.s32 s0, s28  }
0xd: {  	s12 =	sadd.s32 s10, s6;
	s29 =	sadd.s32 s3, s28;
	[dreg:$0x7] =	wrdreg s0  }
0xe: {  	s31 =	sadd.s32 s9, s28;
	[dreg:$0x8] =	wrdreg s29;
	s30 =	sadd.s32 $0x10DAE00, s12  }
0xf: {  	[dreg:$0xa] =	wrdreg s31;
	s10 =	sadd.s32 $0x10EAE00, s12;
	s11 =	sadd.s32 $0x10FAE00, s12  }
0x10: {  	s12 =	smax.u32 s13, $0x1;
	s13 =	simm.s32 $0x2;
	[dreg:$0x9] =	wrdreg s30  }
.LBB2_1:
0x11: {  	s0 =	rddreg [dreg:$0x7]  }
0x12: {  	[tilespmem:s4], [sflag:$0x2] =	stream.linear.gather [hbm4b:s0+s4], $0x80, $0x38;
	[tilespmem:$0xC180] =	vst v63  }
0x13: {  	_ =	swait.ge [sflag:s13], $0x80  }
0x14: {  	[sflag:s13] =	ssyncset.done $0x0  }
0x15: {  	s3 =	simm.s32 $0x80;
	s29 =	rddreg [dreg:$0x8];
	[sflag:s13] =	ssyncadd.s32 $0xFFFFFF80  }
0x16: {  	[tilespmem:s3], [sflag:$0x2] =	stream.linear.gather [hbm4b:s29+s4], $0x80, $0x38;
	[tilespmem:$0xC180] =	vst v63  }
0x17: {  	_ =	swait.ge [sflag:s13], $0x80  }
0x18: {  	[sflag:s13] =	ssyncset.done $0x0  }
0x19: {  	s31 =	simm.s32 $0x100;
	s30 =	rddreg [dreg:$0xa];
	[sflag:s13] =	ssyncadd.s32 $0xFFFFFF80  }
0x1a: {  	[tilespmem:s31], [sflag:$0x2] =	stream.linear.gather [hbm4b:s30+s4], $0x80, $0x38;
	[tilespmem:$0xC180] =	vst v63  }
0x1b: {  	_ =	swait.ge [sflag:s13], $0x80  }
0x1c: {  	[sflag:s13] =	ssyncset.done $0x0  }
0x1d: {  	[sflag:s13] =	ssyncadd.s32 $0xFFFFFF80  }
0x1e: {  	v0 =	vld [tilespmem:s4+$0x0];
	_ =	sdelay $0x4  }
0x1f: {  	v0 =	vshll.u32 v0, $0x4  }
0x20: {  	(v2sf) =	vpush v0, $0x0  }
0x21: {  	(v2sf) =	vpush v0, $0x1  }
0x22: {  	(v2sf) =	vpush v0, $0x2;
	_ =	sdelay $0x1  }
0x23: {  	(v2sf) =	vpush v0, $0x4;
	_ =	sdelay $0x1  }
0x24: {  	(v2sf) =	vpush v0, $0x3  }
0x25: {  	(v2sf) =	vpush v0, $0x5  }
0x26: {  	s23 =	simm.s32 $0x2000;
	s22 =	simm.s32 $0x0;
	s24 =	simm.s32 $0x0;
	(v2sf) =	vpush v0, $0x6  }
.LBB2_2:
0x27: {  	p0 =	sne.s32 s23, $0xE000  }
0x28: {  	s15 =	sadd.s32 $0x200, s22;
	s29 =	sadd.s32 $0x700, s22;
	s25 =	smov.u32 s23  }
0x29: {  	s23 =	sadd.s32 $0x2000, s23;
	s0 =	sadd.s32 $0x500, s22;
	s26 =	sadd.s32 $0x780, s22;
	(v2sf) =	vpush v0, $0x7  }
0x2a: {  	s14 =	sadd.s32 $0x400, s22;
	s30 =	sadd.s32 $0x580, s22;
	s28 =	sadd.s32 $0x800, s22  }
0x2b: {  	s17 =	sadd.s32 $0x180, s22;
	s18 =	sadd.s32 $0x380, s22;
	(v2sf) =	vpush v0, $0x8  }
0x2c: {  	s21 =	simm.s32 $0x0;
	s19 =	sadd.s32 $0x480, s22;
	s24 =	sadd.s32 $0x10, s24  }
0x2d: {  	s6 =	sadd.s32 $0x280, s22;
	s31 =	sadd.s32 $0x680, s22;
	s3 =	spop (v2sf);
	(v2sf) =	vpush v0, $0x9  }
0x2e: {  	s7 =	sand.u32 $0x1FFFFFF0, s3;
	s3 =	sadd.s32 $0x600, s22;
	s8 =	spop (v2sf)  }
0x2f: {  	s7 =	sadd.s32 s1, s7;
	s8 =	sand.u32 $0x1FFFFFF0, s8;
	s9 =	spop (v2sf);
	(v2sf) =	vpush v0, $0xA  }
0x30: {  	[tilespmem:s17], [sflag:$0x1] =	stream.linear.gather [hbm4b:s7+s21], $0x80, $0x38;
	[tilespmem:$0xC180] =	vst v63  }
0x31: {  	s7 =	sadd.s32 s1, s8;
	s8 =	sadd.s32 $0x300, s22;
	s17 =	spop (v2sf);
	(v2sf) =	vpush v0, $0xB  }
0x32: {  	[tilespmem:s15], [sflag:$0x1] =	stream.linear.gather [hbm4b:s7+s21], $0x80, $0x38;
	[tilespmem:$0xC180] =	vst v63  }
0x33: {  	s7 =	sand.u32 $0x1FFFFFF0, s9;
	s9 =	sand.u32 $0x1FFFFFF0, s17;
	s15 =	spop (v2sf);
	(v2sf) =	vpush v0, $0xC  }
0x34: {  	s7 =	sadd.s32 s1, s7;
	s15 =	sand.u32 $0x1FFFFFF0, s15;
	s17 =	spop (v2sf)  }
0x35: {  	[tilespmem:s6], [sflag:$0x1] =	stream.linear.gather [hbm4b:s7+s21], $0x80, $0x38;
	(v2sf) =	vpush v0, $0xD;
	[tilespmem:$0xC180] =	vst v63  }
0x36: {  	s6 =	sadd.s32 s1, s15;
	s7 =	sand.u32 $0x1FFFFFF0, s17;
	s15 =	spop (v2sf)  }
0x37: {  	[tilespmem:s8], [sflag:$0x1] =	stream.linear.gather [hbm4b:s6+s21], $0x80, $0x38;
	(v2sf) =	vpush v0, $0xE;
	[tilespmem:$0xC180] =	vst v63  }
0x38: {  	s6 =	sadd.s32 s1, s9;
	s8 =	sand.u32 $0x1FFFFFF0, s15;
	s9 =	spop (v2sf)  }
0x39: {  	[tilespmem:s18], [sflag:$0x1] =	stream.linear.gather [hbm4b:s6+s21], $0x80, $0x38;
	(v2sf) =	vpush v0, $0xF;
	[tilespmem:$0xC180] =	vst v63  }
0x3a: {  	s6 =	sadd.s32 s1, s7;
	s7 =	sand.u32 $0x1FFFFFF0, s9;
	s9 =	spop (v2sf)  }
0x3b: {  	[tilespmem:s14], [sflag:$0x1] =	stream.linear.gather [hbm4b:s6+s21], $0x80, $0x38;
	[tilespmem:$0xC180] =	vst v63  }
0x3c: {  	s6 =	sadd.s32 s1, s8;
	s8 =	sand.u32 $0x1FFFFFF0, s9;
	s9 =	spop (v2sf)  }
0x3d: {  	[tilespmem:s19], [sflag:$0x1] =	stream.linear.gather [hbm4b:s6+s21], $0x80, $0x38;
	[tilespmem:$0xC180] =	vst v63  }
0x3e: {  	s6 =	sadd.s32 s1, s7;
	s7 =	sand.u32 $0x1FFFFFF0, s9;
	s9 =	spop (v2sf)  }
0x3f: {  	[tilespmem:s0], [sflag:$0x1] =	stream.linear.gather [hbm4b:s6+s21], $0x80, $0x38;
	[tilespmem:$0xC180] =	vst v63  }
0x40: {  	s0 =	sadd.s32 s1, s8;
	s6 =	sand.u32 $0x1FFFFFF0, s9;
	s8 =	spop (v2sf)  }
0x41: {  	[tilespmem:s30], [sflag:$0x1] =	stream.linear.gather [hbm4b:s0+s21], $0x80, $0x38;
	[tilespmem:$0xC180] =	vst v63  }
0x42: {  	s0 =	sadd.s32 s1, s7;
	s7 =	sand.u32 $0x1FFFFFF0, s8;
	s8 =	spop (v2sf)  }
0x43: {  	[tilespmem:s3], [sflag:$0x1] =	stream.linear.gather [hbm4b:s0+s21], $0x80, $0x38;
	[tilespmem:$0xC180] =	vst v63  }
0x44: {  	s0 =	sadd.s32 s1, s6;
	s3 =	sand.u32 $0x1FFFFFF0, s8;
	s6 =	spop (v2sf)  }
0x45: {  	[tilespmem:s31], [sflag:$0x1] =	stream.linear.gather [hbm4b:s0+s21], $0x80, $0x38;
	[tilespmem:$0xC180] =	vst v63  }
0x46: {  	s0 =	sadd.s32 s1, s7;
	s6 =	sand.u32 $0x1FFFFFF0, s6;
	s7 =	spop (v2sf)  }
0x47: {  	[tilespmem:s29], [sflag:$0x1] =	stream.linear.gather [hbm4b:s0+s21], $0x80, $0x38;
	[tilespmem:$0xC180] =	vst v63  }
0x48: {  	s0 =	sadd.s32 s1, s3;
	s3 =	sand.u32 $0x1FFFFFF0, s7;
	s7 =	spop (v2sf)  }
0x49: {  	[tilespmem:s26], [sflag:$0x1] =	stream.linear.gather [hbm4b:s0+s21], $0x80, $0x38;
	[tilespmem:$0xC180] =	vst v63  }
0x4a: {  	s0 =	sadd.s32 s1, s6;
	s6 =	sand.u32 $0x1FFFFFF0, s7  }
0x4b: {  	[tilespmem:s28], [sflag:$0x1] =	stream.linear.gather [hbm4b:s0+s21], $0x80, $0x38;
	[tilespmem:$0xC180] =	vst v63  }
0x4c: {  	s3 =	sadd.s32 s1, s3;
	s0 =	sadd.s32 $0x880, s22  }
0x4d: {  	[tilespmem:s0], [sflag:$0x1] =	stream.linear.gather [hbm4b:s3+s21], $0x80, $0x38;
	[tilespmem:$0xC180] =	vst v63  }
0x4e: {  	s0 =	sadd.s32 $0x900, s22;
	s3 =	sadd.s32 s1, s6  }
0x4f: {  	[tilespmem:s0], [sflag:$0x1] =	stream.linear.gather [hbm4b:s3+s21], $0x80, $0x38;
	[tilespmem:$0xC180] =	vst v63  }
0x50: {  	v0 =	vld [tilespmem:s24+$0x0];
	_ =	sdelay $0x4  }
0x51: {  	v0 =	vshll.u32 v0, $0x4  }
0x52: {  	(v2sf) =	vpush v0, $0x0  }
0x53: {  	(v2sf) =	vpush v0, $0x1  }
0x54: {  	(v2sf) =	vpush v0, $0x2;
	_ =	sdelay $0x1  }
0x55: {  	(v2sf) =	vpush v0, $0x4  }
.Ltmp0:
0x56: {  	(pc) =	sbr.rel @p0 .LBB2_2-.Ltmp0, $3  }
0x57: {  	(v2sf) =	vpush v0, $0x3  }
0x58: {  	(v2sf) =	vpush v0, $0x5;
	_ =	sdelay $0x1  }
0x59: {  	s22 =	sshra.s32 s25, $0x2;
	(v2sf) =	vpush v0, $0x6  }
0x5a: {  	_ =	sdelay $0x1  }
0x5b: {  	s3 =	sadd.s32 $0x200, s22;
	s24 =	sadd.s32 $0x700, s22  }
0x5c: {  	s6 =	sadd.s32 $0x500, s22;
	s0 =	sadd.s32 $0x780, s22;
	(v2sf) =	vpush v0, $0x7;
	s7 =	sadd.s32 $0x400, s22  }
0x5d: {  	s8 =	sadd.s32 $0x580, s22;
	s23 =	sadd.s32 $0x800, s22;
	s9 =	sadd.s32 $0x180, s22  }
0x5e: {  	s14 =	sadd.s32 $0x380, s22;
	s15 =	sadd.s32 $0x480, s22;
	(v2sf) =	vpush v0, $0x8;
	s17 =	spop (v2sf)  }
0x5f: {  	s18 =	sadd.s32 $0x280, s22;
	s17 =	sand.u32 $0x1FFFFFF0, s17;
	s19 =	spop (v2sf)  }
0x60: {  	(v2sf) =	vpush v0, $0x9;
	s17 =	sadd.s32 s1, s17;
	s19 =	sand.u32 $0x1FFFFFF0, s19;
	s25 =	spop (v2sf)  }
0x61: {  	[tilespmem:s9], [sflag:$0x1] =	stream.linear.gather [hbm4b:s17+s21], $0x80, $0x38;
	[tilespmem:$0xC180] =	vst v63  }
0x62: {  	(v2sf) =	vpush v0, $0xA;
	s26 =	sadd.s32 s1, s19;
	s29 =	sand.u32 $0x1FFFFFF0, s25;
	s28 =	spop (v2sf)  }
0x63: {  	[tilespmem:s3], [sflag:$0x1] =	stream.linear.gather [hbm4b:s26+s21], $0x80, $0x38;
	[tilespmem:$0xC180] =	vst v63  }
0x64: {  	s9 =	sadd.s32 $0x680, s22;
	(v2sf) =	vpush v0, $0xB;
	s17 =	sadd.s32 s1, s29;
	s30 =	spop (v2sf)  }
0x65: {  	s3 =	sadd.s32 $0x600, s22;
	s26 =	sadd.s32 $0x300, s22;
	s25 =	sand.u32 $0x1FFFFFF0, s30  }
0x66: {  	(v2sf) =	vpush v0, $0xC;
	[tilespmem:s18], [sflag:$0x1] =	stream.linear.gather [hbm4b:s17+s21], $0x80, $0x38;
	[tilespmem:$0xC180] =	vst v63  }
0x67: {  	s31 =	sand.u32 $0x1FFFFFF0, s28;
	s28 =	spop (v2sf);
	s29 =	sadd.s32 s1, s25  }
0x68: {  	(v2sf) =	vpush v0, $0xD;
	[tilespmem:s26], [sflag:$0x1] =	stream.linear.gather [hbm4b:s29+s21], $0x80, $0x38;
	[tilespmem:$0xC180] =	vst v63  }
0x69: {  	s17 =	sadd.s32 s1, s31;
	s18 =	sand.u32 $0x1FFFFFF0, s28;
	s30 =	spop (v2sf)  }
0x6a: {  	(v2sf) =	vpush v0, $0xE;
	[tilespmem:s14], [sflag:$0x1] =	stream.linear.gather [hbm4b:s17+s21], $0x80, $0x38;
	[tilespmem:$0xC180] =	vst v63  }
0x6b: {  	s18 =	sadd.s32 s1, s18;
	s31 =	sand.u32 $0x1FFFFFF0, s30;
	s19 =	spop (v2sf)  }
0x6c: {  	(v2sf) =	vpush v0, $0xF;
	[tilespmem:s7], [sflag:$0x1] =	stream.linear.gather [hbm4b:s18+s21], $0x80, $0x38;
	[tilespmem:$0xC180] =	vst v63  }
0x6d: {  	s25 =	sand.u32 $0x1FFFFFF0, s19;
	s26 =	spop (v2sf);
	s14 =	sadd.s32 s1, s31  }
0x6e: {  	[tilespmem:s15], [sflag:$0x1] =	stream.linear.gather [hbm4b:s14+s21], $0x80, $0x38;
	[tilespmem:$0xC180] =	vst v63  }
0x6f: {  	s28 =	sand.u32 $0x1FFFFFF0, s26;
	s7 =	sadd.s32 s1, s25;
	s29 =	spop (v2sf)  }
0x70: {  	[tilespmem:s6], [sflag:$0x1] =	stream.linear.gather [hbm4b:s7+s21], $0x80, $0x38;
	[tilespmem:$0xC180] =	vst v63  }
0x71: {  	s14 =	sadd.s32 s1, s28;
	s30 =	sand.u32 $0x1FFFFFF0, s29;
	s31 =	spop (v2sf)  }
0x72: {  	[tilespmem:s8], [sflag:$0x1] =	stream.linear.gather [hbm4b:s14+s21], $0x80, $0x38;
	[tilespmem:$0xC180] =	vst v63  }
0x73: {  	s7 =	sand.u32 $0x1FFFFFF0, s31;
	s6 =	sadd.s32 s1, s30;
	s15 =	spop (v2sf)  }
0x74: {  	[tilespmem:s3], [sflag:$0x1] =	stream.linear.gather [hbm4b:s6+s21], $0x80, $0x38;
	[tilespmem:$0xC180] =	vst v63  }
0x75: {  	s7 =	sadd.s32 s1, s7;
	s17 =	sand.u32 $0x1FFFFFF0, s15;
	s18 =	spop (v2sf)  }
0x76: {  	[tilespmem:s9], [sflag:$0x1] =	stream.linear.gather [hbm4b:s7+s21], $0x80, $0x38;
	[tilespmem:$0xC180] =	vst v63  }
0x77: {  	s3 =	sadd.s32 s1, s17;
	s6 =	sand.u32 $0x1FFFFFF0, s18;
	s19 =	spop (v2sf)  }
0x78: {  	[tilespmem:s24], [sflag:$0x1] =	stream.linear.gather [hbm4b:s3+s21], $0x80, $0x38;
	[tilespmem:$0xC180] =	vst v63  }
0x79: {  	s6 =	sadd.s32 s1, s6;
	s25 =	spop (v2sf);
	s24 =	sand.u32 $0x1FFFFFF0, s19  }
0x7a: {  	[tilespmem:s0], [sflag:$0x1] =	stream.linear.gather [hbm4b:s6+s21], $0x80, $0x38;
	[tilespmem:$0xC180] =	vst v63  }
0x7b: {  	s26 =	sand.u32 $0x1FFFFFF0, s25;
	s28 =	spop (v2sf);
	s3 =	sadd.s32 s1, s24  }
0x7c: {  	[tilespmem:s23], [sflag:$0x1] =	stream.linear.gather [hbm4b:s3+s21], $0x80, $0x38;
	[tilespmem:$0xC180] =	vst v63  }
0x7d: {  	s30 =	sadd.s32 $0x880, s22;
	s29 =	sand.u32 $0x1FFFFFF0, s28;
	s0 =	sadd.s32 s1, s26  }
0x7e: {  	[tilespmem:s30], [sflag:$0x1] =	stream.linear.gather [hbm4b:s0+s21], $0x80, $0x38;
	[tilespmem:$0xC180] =	vst v63  }
0x7f: {  	s31 =	sadd.s32 $0x900, s22;
	s3 =	sadd.s32 s1, s29;
	s23 =	simm.s32 $0x80  }
0x80: {  	[tilespmem:s31], [sflag:$0x1] =	stream.linear.gather [hbm4b:s3+s21], $0x80, $0x38;
	[tilespmem:$0xC180] =	vst v63  }
0x81: {  	v0 =	vld [tilespmem:s23+$0x0];
	_ =	sdelay $0x4  }
0x82: {  	v0 =	vshll.u32 v0, $0x4  }
0x83: {  	(v2sf) =	vpush v0, $0x0  }
0x84: {  	(v2sf) =	vpush v0, $0x1  }
0x85: {  	(v2sf) =	vpush v0, $0x2;
	_ =	sdelay $0x1  }
0x86: {  	(v2sf) =	vpush v0, $0x4;
	_ =	sdelay $0x1  }
0x87: {  	(v2sf) =	vpush v0, $0x3  }
0x88: {  	(v2sf) =	vpush v0, $0x5  }
0x89: {  	s22 =	simm.s32 $0x0;
	s24 =	simm.s32 $0x2000;
	(v2sf) =	vpush v0, $0x6  }
.LBB2_4:
0x8a: {  	p0 =	sne.s32 s24, $0xE000  }
0x8b: {  	s6 =	sadd.s32 $0x4200, s22;
	s29 =	sadd.s32 $0x4700, s22;
	s25 =	smov.u32 s24  }
0x8c: {  	s24 =	sadd.s32 $0x2000, s24;
	s31 =	sadd.s32 $0x4500, s22;
	s26 =	sadd.s32 $0x4780, s22;
	(v2sf) =	vpush v0, $0x7  }
0x8d: {  	s14 =	sadd.s32 $0x4400, s22;
	s0 =	sadd.s32 $0x4580, s22;
	s28 =	sadd.s32 $0x4800, s22  }
0x8e: {  	s7 =	sadd.s32 $0x4180, s22;
	s8 =	sadd.s32 $0x4380, s22;
	(v2sf) =	vpush v0, $0x8  }
0x8f: {  	s9 =	sadd.s32 $0x4480, s22;
	s23 =	sadd.s32 $0x10, s23  }
0x90: {  	s15 =	sadd.s32 $0x4280, s22;
	s30 =	sadd.s32 $0x4680, s22;
	s3 =	spop (v2sf);
	(v2sf) =	vpush v0, $0x9  }
0x91: {  	s17 =	sand.u32 $0x1FFFFFF0, s3;
	s3 =	sadd.s32 $0x4600, s22;
	s18 =	spop (v2sf)  }
0x92: {  	s17 =	sadd.s32 s2, s17;
	s18 =	sand.u32 $0x1FFFFFF0, s18;
	s19 =	spop (v2sf);
	(v2sf) =	vpush v0, $0xA  }
0x93: {  	[tilespmem:s7], [sflag:$0x1] =	stream.linear.gather [hbm4b:s17+s21], $0x80, $0x38;
	[tilespmem:$0xC180] =	vst v63  }
0x94: {  	s7 =	sadd.s32 s2, s18;
	s17 =	sadd.s32 $0x4300, s22;
	s18 =	spop (v2sf);
	(v2sf) =	vpush v0, $0xB  }
0x95: {  	[tilespmem:s6], [sflag:$0x1] =	stream.linear.gather [hbm4b:s7+s21], $0x80, $0x38;
	[tilespmem:$0xC180] =	vst v63  }
0x96: {  	s6 =	sand.u32 $0x1FFFFFF0, s19;
	s7 =	sand.u32 $0x1FFFFFF0, s18;
	s18 =	spop (v2sf);
	(v2sf) =	vpush v0, $0xC  }
0x97: {  	s6 =	sadd.s32 s2, s6;
	s18 =	sand.u32 $0x1FFFFFF0, s18;
	s19 =	spop (v2sf)  }
0x98: {  	[tilespmem:s15], [sflag:$0x1] =	stream.linear.gather [hbm4b:s6+s21], $0x80, $0x38;
	(v2sf) =	vpush v0, $0xD;
	[tilespmem:$0xC180] =	vst v63  }
0x99: {  	s6 =	sadd.s32 s2, s18;
	s15 =	sand.u32 $0x1FFFFFF0, s19;
	s18 =	spop (v2sf)  }
0x9a: {  	[tilespmem:s17], [sflag:$0x1] =	stream.linear.gather [hbm4b:s6+s21], $0x80, $0x38;
	(v2sf) =	vpush v0, $0xE;
	[tilespmem:$0xC180] =	vst v63  }
0x9b: {  	s6 =	sadd.s32 s2, s7;
	s7 =	sand.u32 $0x1FFFFFF0, s18;
	s17 =	spop (v2sf)  }
0x9c: {  	[tilespmem:s8], [sflag:$0x1] =	stream.linear.gather [hbm4b:s6+s21], $0x80, $0x38;
	(v2sf) =	vpush v0, $0xF;
	[tilespmem:$0xC180] =	vst v63  }
0x9d: {  	s6 =	sadd.s32 s2, s15;
	s8 =	sand.u32 $0x1FFFFFF0, s17;
	s15 =	spop (v2sf)  }
0x9e: {  	[tilespmem:s14], [sflag:$0x1] =	stream.linear.gather [hbm4b:s6+s21], $0x80, $0x38;
	[tilespmem:$0xC180] =	vst v63  }
0x9f: {  	s6 =	sadd.s32 s2, s7;
	s7 =	sand.u32 $0x1FFFFFF0, s15;
	s14 =	spop (v2sf)  }
0xa0: {  	[tilespmem:s9], [sflag:$0x1] =	stream.linear.gather [hbm4b:s6+s21], $0x80, $0x38;
	[tilespmem:$0xC180] =	vst v63  }
0xa1: {  	s6 =	sadd.s32 s2, s8;
	s8 =	sand.u32 $0x1FFFFFF0, s14;
	s9 =	spop (v2sf)  }
0xa2: {  	[tilespmem:s31], [sflag:$0x1] =	stream.linear.gather [hbm4b:s6+s21], $0x80, $0x38;
	[tilespmem:$0xC180] =	vst v63  }
0xa3: {  	s6 =	sadd.s32 s2, s7;
	s7 =	sand.u32 $0x1FFFFFF0, s9;
	s9 =	spop (v2sf)  }
0xa4: {  	[tilespmem:s0], [sflag:$0x1] =	stream.linear.gather [hbm4b:s6+s21], $0x80, $0x38;
	[tilespmem:$0xC180] =	vst v63  }
0xa5: {  	s0 =	sadd.s32 s2, s8;
	s6 =	sand.u32 $0x1FFFFFF0, s9;
	s8 =	spop (v2sf)  }
0xa6: {  	[tilespmem:s3], [sflag:$0x1] =	stream.linear.gather [hbm4b:s0+s21], $0x80, $0x38;
	[tilespmem:$0xC180] =	vst v63  }
0xa7: {  	s0 =	sadd.s32 s2, s7;
	s3 =	sand.u32 $0x1FFFFFF0, s8;
	s7 =	spop (v2sf)  }
0xa8: {  	[tilespmem:s30], [sflag:$0x1] =	stream.linear.gather [hbm4b:s0+s21], $0x80, $0x38;
	[tilespmem:$0xC180] =	vst v63  }
0xa9: {  	s0 =	sadd.s32 s2, s6;
	s6 =	sand.u32 $0x1FFFFFF0, s7;
	s7 =	spop (v2sf)  }
0xaa: {  	[tilespmem:s29], [sflag:$0x1] =	stream.linear.gather [hbm4b:s0+s21], $0x80, $0x38;
	[tilespmem:$0xC180] =	vst v63  }
0xab: {  	s0 =	sadd.s32 s2, s3;
	s3 =	sand.u32 $0x1FFFFFF0, s7;
	s7 =	spop (v2sf)  }
0xac: {  	[tilespmem:s26], [sflag:$0x1] =	stream.linear.gather [hbm4b:s0+s21], $0x80, $0x38;
	[tilespmem:$0xC180] =	vst v63  }
0xad: {  	s0 =	sadd.s32 s2, s6;
	s6 =	sand.u32 $0x1FFFFFF0, s7  }
0xae: {  	[tilespmem:s28], [sflag:$0x1] =	stream.linear.gather [hbm4b:s0+s21], $0x80, $0x38;
	[tilespmem:$0xC180] =	vst v63  }
0xaf: {  	s3 =	sadd.s32 s2, s3;
	s0 =	sadd.s32 $0x4880, s22  }
0xb0: {  	[tilespmem:s0], [sflag:$0x1] =	stream.linear.gather [hbm4b:s3+s21], $0x80, $0x38;
	[tilespmem:$0xC180] =	vst v63  }
0xb1: {  	s0 =	sadd.s32 $0x4900, s22;
	s3 =	sadd.s32 s2, s6  }
0xb2: {  	[tilespmem:s0], [sflag:$0x1] =	stream.linear.gather [hbm4b:s3+s21], $0x80, $0x38;
	[tilespmem:$0xC180] =	vst v63  }
0xb3: {  	v0 =	vld [tilespmem:s23+$0x0];
	_ =	sdelay $0x4  }
0xb4: {  	v0 =	vshll.u32 v0, $0x4  }
0xb5: {  	(v2sf) =	vpush v0, $0x0  }
0xb6: {  	(v2sf) =	vpush v0, $0x1  }
0xb7: {  	(v2sf) =	vpush v0, $0x2;
	_ =	sdelay $0x1  }
0xb8: {  	(v2sf) =	vpush v0, $0x4  }
.Ltmp1:
0xb9: {  	(pc) =	sbr.rel @p0 .LBB2_4-.Ltmp1, $3  }
0xba: {  	(v2sf) =	vpush v0, $0x3  }
0xbb: {  	(v2sf) =	vpush v0, $0x5;
	_ =	sdelay $0x1  }
0xbc: {  	s22 =	sshra.s32 s25, $0x2;
	(v2sf) =	vpush v0, $0x6  }
0xbd: {  	_ =	sdelay $0x1  }
0xbe: {  	s3 =	sadd.s32 $0x4200, s22;
	s24 =	sadd.s32 $0x4700, s22  }
0xbf: {  	s6 =	sadd.s32 $0x4500, s22;
	s0 =	sadd.s32 $0x4780, s22;
	(v2sf) =	vpush v0, $0x7;
	s7 =	sadd.s32 $0x4400, s22  }
0xc0: {  	s8 =	sadd.s32 $0x4580, s22;
	s23 =	sadd.s32 $0x4800, s22;
	s9 =	sadd.s32 $0x4180, s22  }
0xc1: {  	s14 =	sadd.s32 $0x4380, s22;
	s15 =	sadd.s32 $0x4480, s22;
	(v2sf) =	vpush v0, $0x8;
	s17 =	spop (v2sf)  }
0xc2: {  	s18 =	sadd.s32 $0x4280, s22;
	s17 =	sand.u32 $0x1FFFFFF0, s17;
	s19 =	spop (v2sf)  }
0xc3: {  	(v2sf) =	vpush v0, $0x9;
	s17 =	sadd.s32 s2, s17;
	s19 =	sand.u32 $0x1FFFFFF0, s19;
	s25 =	spop (v2sf)  }
0xc4: {  	[tilespmem:s9], [sflag:$0x1] =	stream.linear.gather [hbm4b:s17+s21], $0x80, $0x38;
	[tilespmem:$0xC180] =	vst v63  }
0xc5: {  	(v2sf) =	vpush v0, $0xA;
	s26 =	sadd.s32 s2, s19;
	s29 =	sand.u32 $0x1FFFFFF0, s25;
	s28 =	spop (v2sf)  }
0xc6: {  	[tilespmem:s3], [sflag:$0x1] =	stream.linear.gather [hbm4b:s26+s21], $0x80, $0x38;
	[tilespmem:$0xC180] =	vst v63  }
0xc7: {  	s9 =	sadd.s32 $0x4680, s22;
	(v2sf) =	vpush v0, $0xB;
	s17 =	sadd.s32 s2, s29;
	s30 =	spop (v2sf)  }
0xc8: {  	s3 =	sadd.s32 $0x4600, s22;
	s26 =	sadd.s32 $0x4300, s22;
	s25 =	sand.u32 $0x1FFFFFF0, s30  }
0xc9: {  	(v2sf) =	vpush v0, $0xC;
	[tilespmem:s18], [sflag:$0x1] =	stream.linear.gather [hbm4b:s17+s21], $0x80, $0x38;
	[tilespmem:$0xC180] =	vst v63  }
0xca: {  	s31 =	sand.u32 $0x1FFFFFF0, s28;
	s28 =	spop (v2sf);
	s29 =	sadd.s32 s2, s25  }
0xcb: {  	(v2sf) =	vpush v0, $0xD;
	[tilespmem:s26], [sflag:$0x1] =	stream.linear.gather [hbm4b:s29+s21], $0x80, $0x38;
	[tilespmem:$0xC180] =	vst v63  }
0xcc: {  	s17 =	sadd.s32 s2, s31;
	s18 =	sand.u32 $0x1FFFFFF0, s28;
	s30 =	spop (v2sf)  }
0xcd: {  	(v2sf) =	vpush v0, $0xE;
	[tilespmem:s14], [sflag:$0x1] =	stream.linear.gather [hbm4b:s17+s21], $0x80, $0x38;
	[tilespmem:$0xC180] =	vst v63  }
0xce: {  	s18 =	sadd.s32 s2, s18;
	s31 =	sand.u32 $0x1FFFFFF0, s30;
	s19 =	spop (v2sf)  }
0xcf: {  	(v2sf) =	vpush v0, $0xF;
	[tilespmem:s7], [sflag:$0x1] =	stream.linear.gather [hbm4b:s18+s21], $0x80, $0x38;
	[tilespmem:$0xC180] =	vst v63  }
0xd0: {  	s25 =	sand.u32 $0x1FFFFFF0, s19;
	s26 =	spop (v2sf);
	s14 =	sadd.s32 s2, s31  }
0xd1: {  	[tilespmem:s15], [sflag:$0x1] =	stream.linear.gather [hbm4b:s14+s21], $0x80, $0x38;
	[tilespmem:$0xC180] =	vst v63  }
0xd2: {  	s28 =	sand.u32 $0x1FFFFFF0, s26;
	s7 =	sadd.s32 s2, s25;
	s29 =	spop (v2sf)  }
0xd3: {  	[tilespmem:s6], [sflag:$0x1] =	stream.linear.gather [hbm4b:s7+s21], $0x80, $0x38;
	[tilespmem:$0xC180] =	vst v63  }
0xd4: {  	s14 =	sadd.s32 s2, s28;
	s30 =	sand.u32 $0x1FFFFFF0, s29;
	s31 =	spop (v2sf)  }
0xd5: {  	[tilespmem:s8], [sflag:$0x1] =	stream.linear.gather [hbm4b:s14+s21], $0x80, $0x38;
	[tilespmem:$0xC180] =	vst v63  }
0xd6: {  	s7 =	sand.u32 $0x1FFFFFF0, s31;
	s6 =	sadd.s32 s2, s30;
	s15 =	spop (v2sf)  }
0xd7: {  	[tilespmem:s3], [sflag:$0x1] =	stream.linear.gather [hbm4b:s6+s21], $0x80, $0x38;
	[tilespmem:$0xC180] =	vst v63  }
0xd8: {  	s7 =	sadd.s32 s2, s7;
	s17 =	sand.u32 $0x1FFFFFF0, s15;
	s18 =	spop (v2sf)  }
0xd9: {  	[tilespmem:s9], [sflag:$0x1] =	stream.linear.gather [hbm4b:s7+s21], $0x80, $0x38;
	[tilespmem:$0xC180] =	vst v63  }
0xda: {  	s3 =	sadd.s32 s2, s17;
	s6 =	sand.u32 $0x1FFFFFF0, s18;
	s19 =	spop (v2sf)  }
0xdb: {  	[tilespmem:s24], [sflag:$0x1] =	stream.linear.gather [hbm4b:s3+s21], $0x80, $0x38;
	[tilespmem:$0xC180] =	vst v63  }
0xdc: {  	s6 =	sadd.s32 s2, s6;
	s25 =	spop (v2sf);
	s24 =	sand.u32 $0x1FFFFFF0, s19  }
0xdd: {  	[tilespmem:s0], [sflag:$0x1] =	stream.linear.gather [hbm4b:s6+s21], $0x80, $0x38;
	[tilespmem:$0xC180] =	vst v63  }
0xde: {  	s26 =	sand.u32 $0x1FFFFFF0, s25;
	s28 =	spop (v2sf);
	s3 =	sadd.s32 s2, s24  }
0xdf: {  	[tilespmem:s23], [sflag:$0x1] =	stream.linear.gather [hbm4b:s3+s21], $0x80, $0x38;
	[tilespmem:$0xC180] =	vst v63  }
0xe0: {  	s30 =	sadd.s32 $0x4880, s22;
	s29 =	sand.u32 $0x1FFFFFF0, s28;
	s0 =	sadd.s32 s2, s26  }
0xe1: {  	[tilespmem:s30], [sflag:$0x1] =	stream.linear.gather [hbm4b:s0+s21], $0x80, $0x38;
	[tilespmem:$0xC180] =	vst v63  }
0xe2: {  	s31 =	sadd.s32 $0x4900, s22;
	s22 =	simm.s32 $0x100;
	s3 =	sadd.s32 s2, s29  }
0xe3: {  	[tilespmem:s31], [sflag:$0x1] =	stream.linear.gather [hbm4b:s3+s21], $0x80, $0x38;
	[tilespmem:$0xC180] =	vst v63  }
0xe4: {  	v0 =	vld [tilespmem:s22+$0x0];
	_ =	sdelay $0x4  }
0xe5: {  	v0 =	vshll.u32 v0, $0x4  }
0xe6: {  	(v2sf) =	vpush v0, $0x0  }
0xe7: {  	(v2sf) =	vpush v0, $0x1  }
0xe8: {  	(v2sf) =	vpush v0, $0x2;
	_ =	sdelay $0x1  }
0xe9: {  	(v2sf) =	vpush v0, $0x4;
	_ =	sdelay $0x1  }
0xea: {  	(v2sf) =	vpush v0, $0x3  }
0xeb: {  	(v2sf) =	vpush v0, $0x5  }
0xec: {  	s23 =	simm.s32 $0x2000;
	s21 =	simm.s32 $0x0;
	(v2sf) =	vpush v0, $0x6  }
.LBB2_6:
0xed: {  	p0 =	sne.s32 s23, $0xE000  }
0xee: {  	s6 =	sadd.s32 $0x8200, s21;
	s28 =	sadd.s32 $0x8700, s21;
	s24 =	smov.u32 s23  }
0xef: {  	s23 =	sadd.s32 $0x2000, s23;
	s30 =	sadd.s32 $0x8500, s21;
	s25 =	sadd.s32 $0x8780, s21;
	(v2sf) =	vpush v0, $0x7  }
0xf0: {  	s14 =	sadd.s32 $0x8400, s21;
	s0 =	sadd.s32 $0x8580, s21;
	s26 =	sadd.s32 $0x8800, s21  }
0xf1: {  	s7 =	sadd.s32 $0x8180, s21;
	s8 =	sadd.s32 $0x8380, s21;
	(v2sf) =	vpush v0, $0x8  }
0xf2: {  	s9 =	sadd.s32 $0x8480, s21;
	s22 =	sadd.s32 $0x10, s22  }
0xf3: {  	s15 =	sadd.s32 $0x8280, s21;
	s29 =	sadd.s32 $0x8680, s21;
	s3 =	spop (v2sf);
	(v2sf) =	vpush v0, $0x9  }
0xf4: {  	s17 =	sand.u32 $0x1FFFFFF0, s3;
	s3 =	sadd.s32 $0x8600, s21;
	s18 =	spop (v2sf)  }
0xf5: {  	s17 =	sadd.s32 s5, s17;
	s18 =	sand.u32 $0x1FFFFFF0, s18;
	s19 =	spop (v2sf);
	(v2sf) =	vpush v0, $0xA  }
0xf6: {  	[tilespmem:s7], [sflag:$0x1] =	stream.linear.gather [hbm4b:s17+s4], $0x80, $0x38;
	[tilespmem:$0xC180] =	vst v63  }
0xf7: {  	s7 =	sadd.s32 s5, s18;
	s17 =	sadd.s32 $0x8300, s21;
	s18 =	spop (v2sf);
	(v2sf) =	vpush v0, $0xB  }
0xf8: {  	[tilespmem:s6], [sflag:$0x1] =	stream.linear.gather [hbm4b:s7+s4], $0x80, $0x38;
	[tilespmem:$0xC180] =	vst v63  }
0xf9: {  	s6 =	sand.u32 $0x1FFFFFF0, s19;
	s7 =	sand.u32 $0x1FFFFFF0, s18;
	s18 =	spop (v2sf);
	(v2sf) =	vpush v0, $0xC  }
0xfa: {  	s6 =	sadd.s32 s5, s6;
	s18 =	sand.u32 $0x1FFFFFF0, s18;
	s19 =	spop (v2sf)  }
0xfb: {  	[tilespmem:s15], [sflag:$0x1] =	stream.linear.gather [hbm4b:s6+s4], $0x80, $0x38;
	(v2sf) =	vpush v0, $0xD;
	[tilespmem:$0xC180] =	vst v63  }
0xfc: {  	s6 =	sadd.s32 s5, s18;
	s15 =	sand.u32 $0x1FFFFFF0, s19;
	s18 =	spop (v2sf)  }
0xfd: {  	[tilespmem:s17], [sflag:$0x1] =	stream.linear.gather [hbm4b:s6+s4], $0x80, $0x38;
	(v2sf) =	vpush v0, $0xE;
	[tilespmem:$0xC180] =	vst v63  }
0xfe: {  	s6 =	sadd.s32 s5, s7;
	s7 =	sand.u32 $0x1FFFFFF0, s18;
	s17 =	spop (v2sf)  }
0xff: {  	[tilespmem:s8], [sflag:$0x1] =	stream.linear.gather [hbm4b:s6+s4], $0x80, $0x38;
	(v2sf) =	vpush v0, $0xF;
	[tilespmem:$0xC180] =	vst v63  }
0x100: {  	s6 =	sadd.s32 s5, s15;
	s8 =	sand.u32 $0x1FFFFFF0, s17;
	s15 =	spop (v2sf)  }
0x101: {  	[tilespmem:s14], [sflag:$0x1] =	stream.linear.gather [hbm4b:s6+s4], $0x80, $0x38;
	[tilespmem:$0xC180] =	vst v63  }
0x102: {  	s6 =	sadd.s32 s5, s7;
	s7 =	sand.u32 $0x1FFFFFF0, s15;
	s14 =	spop (v2sf)  }
0x103: {  	[tilespmem:s9], [sflag:$0x1] =	stream.linear.gather [hbm4b:s6+s4], $0x80, $0x38;
	[tilespmem:$0xC180] =	vst v63  }
0x104: {  	s6 =	sadd.s32 s5, s8;
	s8 =	sand.u32 $0x1FFFFFF0, s14;
	s9 =	spop (v2sf)  }
0x105: {  	[tilespmem:s30], [sflag:$0x1] =	stream.linear.gather [hbm4b:s6+s4], $0x80, $0x38;
	[tilespmem:$0xC180] =	vst v63  }
0x106: {  	s6 =	sadd.s32 s5, s7;
	s7 =	sand.u32 $0x1FFFFFF0, s9;
	s9 =	spop (v2sf)  }
0x107: {  	[tilespmem:s0], [sflag:$0x1] =	stream.linear.gather [hbm4b:s6+s4], $0x80, $0x38;
	[tilespmem:$0xC180] =	vst v63  }
0x108: {  	s0 =	sadd.s32 s5, s8;
	s6 =	sand.u32 $0x1FFFFFF0, s9;
	s8 =	spop (v2sf)  }
0x109: {  	[tilespmem:s3], [sflag:$0x1] =	stream.linear.gather [hbm4b:s0+s4], $0x80, $0x38;
	[tilespmem:$0xC180] =	vst v63  }
0x10a: {  	s0 =	sadd.s32 s5, s7;
	s3 =	sand.u32 $0x1FFFFFF0, s8;
	s7 =	spop (v2sf)  }
0x10b: {  	[tilespmem:s29], [sflag:$0x1] =	stream.linear.gather [hbm4b:s0+s4], $0x80, $0x38;
	[tilespmem:$0xC180] =	vst v63  }
0x10c: {  	s0 =	sadd.s32 s5, s6;
	s6 =	sand.u32 $0x1FFFFFF0, s7;
	s7 =	spop (v2sf)  }
0x10d: {  	[tilespmem:s28], [sflag:$0x1] =	stream.linear.gather [hbm4b:s0+s4], $0x80, $0x38;
	[tilespmem:$0xC180] =	vst v63  }
0x10e: {  	s0 =	sadd.s32 s5, s3;
	s3 =	sand.u32 $0x1FFFFFF0, s7;
	s7 =	spop (v2sf)  }
0x10f: {  	[tilespmem:s25], [sflag:$0x1] =	stream.linear.gather [hbm4b:s0+s4], $0x80, $0x38;
	[tilespmem:$0xC180] =	vst v63  }
0x110: {  	s0 =	sadd.s32 s5, s6;
	s6 =	sand.u32 $0x1FFFFFF0, s7  }
0x111: {  	[tilespmem:s26], [sflag:$0x1] =	stream.linear.gather [hbm4b:s0+s4], $0x80, $0x38;
	[tilespmem:$0xC180] =	vst v63  }
0x112: {  	s3 =	sadd.s32 s5, s3;
	s0 =	sadd.s32 $0x8880, s21  }
0x113: {  	[tilespmem:s0], [sflag:$0x1] =	stream.linear.gather [hbm4b:s3+s4], $0x80, $0x38;
	[tilespmem:$0xC180] =	vst v63  }
0x114: {  	s0 =	sadd.s32 $0x8900, s21;
	s3 =	sadd.s32 s5, s6  }
0x115: {  	[tilespmem:s0], [sflag:$0x1] =	stream.linear.gather [hbm4b:s3+s4], $0x80, $0x38;
	[tilespmem:$0xC180] =	vst v63  }
0x116: {  	v0 =	vld [tilespmem:s22+$0x0];
	_ =	sdelay $0x4  }
0x117: {  	v0 =	vshll.u32 v0, $0x4  }
0x118: {  	(v2sf) =	vpush v0, $0x0  }
0x119: {  	(v2sf) =	vpush v0, $0x1  }
0x11a: {  	(v2sf) =	vpush v0, $0x2;
	_ =	sdelay $0x1  }
0x11b: {  	(v2sf) =	vpush v0, $0x4  }
.Ltmp2:
0x11c: {  	(pc) =	sbr.rel @p0 .LBB2_6-.Ltmp2, $3  }
0x11d: {  	(v2sf) =	vpush v0, $0x3  }
0x11e: {  	(v2sf) =	vpush v0, $0x5;
	_ =	sdelay $0x1  }
0x11f: {  	s21 =	sshra.s32 s24, $0x2;
	(v2sf) =	vpush v0, $0x6  }
0x120: {  	_ =	sdelay $0x5  }
0x121: {  	s0 =	spop (v2sf)  }
0x122: {  	s3 =	spop (v2sf)  }
0x123: {  	s8 =	spop (v2sf)  }
0x124: {  	s15 =	spop (v2sf);
	(v2sf) =	vpush v0, $0x7  }
0x125: {  	s0 =	sand.u32 $0x1FFFFFF0, s0  }
0x126: {  	s6 =	sadd.s32 $0x8180, s21;
	s0 =	sadd.s32 s5, s0  }
0x127: {  	[tilespmem:s6], [sflag:$0x1] =	stream.linear.gather [hbm4b:s0+s4], $0x80, $0x38;
	[tilespmem:$0xC180] =	vst v63  }
0x128: {  	s3 =	sand.u32 $0x1FFFFFF0, s3;
	s17 =	spop (v2sf);
	(v2sf) =	vpush v0, $0x8  }
0x129: {  	s7 =	sadd.s32 $0x8200, s21;
	s3 =	sadd.s32 s5, s3  }
0x12a: {  	[tilespmem:s7], [sflag:$0x1] =	stream.linear.gather [hbm4b:s3+s4], $0x80, $0x38;
	[tilespmem:$0xC180] =	vst v63  }
0x12b: {  	s9 =	sand.u32 $0x1FFFFFF0, s8;
	s23 =	spop (v2sf);
	(v2sf) =	vpush v0, $0x9  }
0x12c: {  	s14 =	sadd.s32 $0x8280, s21;
	s0 =	sadd.s32 s5, s9  }
0x12d: {  	[tilespmem:s14], [sflag:$0x1] =	stream.linear.gather [hbm4b:s0+s4], $0x80, $0x38;
	[tilespmem:$0xC180] =	vst v63  }
0x12e: {  	s0 =	sand.u32 $0x1FFFFFF0, s17;
	s25 =	spop (v2sf);
	(v2sf) =	vpush v0, $0xA  }
0x12f: {  	s18 =	sadd.s32 $0x8300, s21;
	s19 =	sand.u32 $0x1FFFFFF0, s15;
	s0 =	sadd.s32 s5, s0  }
0x130: {  	[tilespmem:s18], [sflag:$0x1] =	stream.linear.gather [hbm4b:s0+s4], $0x80, $0x38;
	[tilespmem:$0xC180] =	vst v63  }
0x131: {  	s22 =	sadd.s32 $0x8380, s21;
	s0 =	sadd.s32 s5, s19  }
0x132: {  	[tilespmem:s22], [sflag:$0x1] =	stream.linear.gather [hbm4b:s0+s4], $0x80, $0x38;
	[tilespmem:$0xC180] =	vst v63  }
0x133: {  	s0 =	sand.u32 $0x1FFFFFF0, s23;
	s28 =	spop (v2sf);
	(v2sf) =	vpush v0, $0xB  }
0x134: {  	s24 =	sadd.s32 $0x8400, s21;
	s0 =	sadd.s32 s5, s0  }
0x135: {  	[tilespmem:s24], [sflag:$0x1] =	stream.linear.gather [hbm4b:s0+s4], $0x80, $0x38;
	[tilespmem:$0xC180] =	vst v63  }
0x136: {  	s0 =	sand.u32 $0x1FFFFFF0, s25  }
0x137: {  	s26 =	sadd.s32 $0x8480, s21;
	s0 =	sadd.s32 s5, s0;
	s30 =	spop (v2sf);
	(v2sf) =	vpush v0, $0xC  }
0x138: {  	[tilespmem:s26], [sflag:$0x1] =	stream.linear.gather [hbm4b:s0+s4], $0x80, $0x38;
	[tilespmem:$0xC180] =	vst v63  }
0x139: {  	s0 =	sand.u32 $0x1FFFFFF0, s28  }
0x13a: {  	s29 =	sadd.s32 $0x8500, s21;
	s0 =	sadd.s32 s5, s0;
	s6 =	spop (v2sf);
	(v2sf) =	vpush v0, $0xD  }
0x13b: {  	[tilespmem:s29], [sflag:$0x1] =	stream.linear.gather [hbm4b:s0+s4], $0x80, $0x38;
	[tilespmem:$0xC180] =	vst v63  }
0x13c: {  	s0 =	sand.u32 $0x1FFFFFF0, s30  }
0x13d: {  	s31 =	sadd.s32 $0x8580, s21;
	s0 =	sadd.s32 s5, s0;
	s8 =	spop (v2sf);
	(v2sf) =	vpush v0, $0xE  }
0x13e: {  	[tilespmem:s31], [sflag:$0x1] =	stream.linear.gather [hbm4b:s0+s4], $0x80, $0x38;
	[tilespmem:$0xC180] =	vst v63  }
0x13f: {  	s0 =	sand.u32 $0x1FFFFFF0, s6  }
0x140: {  	s7 =	sadd.s32 $0x8600, s21;
	s0 =	sadd.s32 s5, s0  }
0x141: {  	[tilespmem:s7], [sflag:$0x1] =	stream.linear.gather [hbm4b:s0+s4], $0x80, $0x38;
	[tilespmem:$0xC180] =	vst v63  }
0x142: {  	s0 =	sand.u32 $0x1FFFFFF0, s8;
	s14 =	spop (v2sf);
	(v2sf) =	vpush v0, $0xF  }
0x143: {  	s9 =	sadd.s32 $0x8680, s21;
	s0 =	sadd.s32 s5, s0  }
0x144: {  	[tilespmem:s9], [sflag:$0x1] =	stream.linear.gather [hbm4b:s0+s4], $0x80, $0x38;
	[tilespmem:$0xC180] =	vst v63  }
0x145: {  	s0 =	sand.u32 $0x1FFFFFF0, s14  }
0x146: {  	s15 =	sadd.s32 $0x8700, s21;
	s0 =	sadd.s32 s5, s0;
	s17 =	spop (v2sf)  }
0x147: {  	[tilespmem:s15], [sflag:$0x1] =	stream.linear.gather [hbm4b:s0+s4], $0x80, $0x38;
	[tilespmem:$0xC180] =	vst v63  }
0x148: {  	s0 =	sand.u32 $0x1FFFFFF0, s17  }
0x149: {  	s18 =	sadd.s32 $0x8780, s21;
	s19 =	spop (v2sf);
	s0 =	sadd.s32 s5, s0  }
0x14a: {  	[tilespmem:s18], [sflag:$0x1] =	stream.linear.gather [hbm4b:s0+s4], $0x80, $0x38;
	[tilespmem:$0xC180] =	vst v63  }
0x14b: {  	s0 =	sand.u32 $0x1FFFFFF0, s19  }
0x14c: {  	s22 =	sadd.s32 $0x8800, s21;
	s23 =	spop (v2sf);
	s0 =	sadd.s32 s5, s0  }
0x14d: {  	[tilespmem:s22], [sflag:$0x1] =	stream.linear.gather [hbm4b:s0+s4], $0x80, $0x38;
	[tilespmem:$0xC180] =	vst v63  }
0x14e: {  	s0 =	sand.u32 $0x1FFFFFF0, s23  }
0x14f: {  	s24 =	sadd.s32 $0x8880, s21;
	s0 =	sadd.s32 s5, s0  }
0x150: {  	[tilespmem:s24], [sflag:$0x1] =	stream.linear.gather [hbm4b:s0+s4], $0x80, $0x38;
	[tilespmem:$0xC180] =	vst v63  }
0x151: {  	s25 =	spop (v2sf)  }
0x152: {  	s0 =	sand.u32 $0x1FFFFFF0, s25  }
0x153: {  	s26 =	sadd.s32 $0x8900, s21;
	s0 =	sadd.s32 s5, s0  }
0x154: {  	[tilespmem:s26], [sflag:$0x1] =	stream.linear.gather [hbm4b:s0+s4], $0x80, $0x38;
	[tilespmem:$0xC180] =	vst v63  }
0x155: {  	_ =	swait.ge [sflag:s16], $0x4000  }
0x156: {  	[sflag:s16] =	ssyncset.done $0x0  }
0x157: {  	s29 =	simm.s32 $0x180;
	s28 =	rddreg [dreg:$0x9];
	[sflag:s16] =	ssyncadd.s32 $0xFFFFC000  }
0x158: {  	[hbm4b:s28+s4] =	stream.linear.scatter [tilespmem:s29], [sflag:$0x2], $0x4000, $0x38;
	[tilespmem:$0xC180] =	vst v63  }
0x159: {  	_ =	swait.ge [sflag:s13], $0x4000  }
0x15a: {  	[sflag:s13] =	ssyncset.done $0x0  }
0x15b: {  	[sflag:s13] =	ssyncadd.s32 $0xFFFFC000  }
0x15c: {  	_ =	swait.ge [sflag:s16], $0x4000  }
0x15d: {  	[sflag:s16] =	ssyncset.done $0x0  }
0x15e: {  	s30 =	simm.s32 $0x4180;
	[sflag:s16] =	ssyncadd.s32 $0xFFFFC000  }
0x15f: {  	[hbm4b:s10+s4] =	stream.linear.scatter [tilespmem:s30], [sflag:$0x2], $0x4000, $0x38;
	[tilespmem:$0xC180] =	vst v63  }
0x160: {  	_ =	swait.ge [sflag:s13], $0x4000  }
0x161: {  	[sflag:s13] =	ssyncset.done $0x0  }
0x162: {  	[sflag:s13] =	ssyncadd.s32 $0xFFFFC000  }
0x163: {  	s20 =	sadd.s32 $0x1, s20;
	_ =	swait.ge [sflag:s16], $0x4000  }
0x164: {  	p0 =	sne.s32 s20, s12;
	[sflag:s16] =	ssyncset.done $0x0  }
.Ltmp3:
0x165: {  	s31 =	simm.s32 $0x8180;
	[sflag:s16] =	ssyncadd.s32 $0xFFFFC000;
	(pc) =	sbr.rel @p0 .LBB2_1-.Ltmp3, $4  }
0x166: {  	[hbm4b:s11+s4] =	stream.linear.scatter [tilespmem:s31], [sflag:$0x2], $0x4000, $0x38;
	[tilespmem:$0xC180] =	vst v63  }
0x167: {  	_ =	swait.ge [sflag:s13], $0x4000  }
0x168: {  	[sflag:s13] =	ssyncset.done $0x0  }
0x169: {  	[sflag:s13] =	ssyncadd.s32 $0xFFFFC000  }
0x16a: {  	_ =	sfence.sel $0x180000  }
0x16b: {  	[bflag:$0x0] =	sbarrier.arrive $0xFFFF  }
0x16c: {  	_ =	strace $0x9000004A  }
0x16d: {  	s0 =	stileid.u32;
	[bflag:$0x2] =	sbarrier.arrive $0xFFFF  }
0x16e: {  	p0 =	sne.s32 s0, $0x0;
	s0 =	rddreg [dreg:$0x6]  }
0x16f: {  	s0 =	sadd.s32 @!p0 $0x100000, s0  }
0x170: {  	[sflag:s0] =	ssyncadd.tile.s32 @!p0 $0x1;
	_ =	shalt  }
.Lfunc_end2:
_tile_overlayer_lowered:
.L_overlay_start_2:
0x171: {  	(tag) =	ssettag $0x2  }
0x172: {  	s0 =	rddreg [dreg:$0x0];
	s2 =	stileid.u32  }
0x173: {  	s1 =	rddreg [dreg:$0x1];
	p0 =	sne.s32 s2, $0x0  }
0x174: {  	s3 =	rddreg [dreg:$0x2];
	[bflag:$0x3] =	sbarrier.arrive $0xFFFF;
	s2 =	simm.s32 @!p0 $0x1C02  }
0x175: {  	[timem:s3], [sflag:s2] =	dma.local @!p0 [hbm:s0], s1  }
0x176: {  	s0 =	simm.s32 @!p0 $0x2  }
0x177: {  	_ =	swait.ge @!p0 [sflag:s0], s1  }
0x178: {  	s1 =	ssub.s32 @!p0 $0x0, s1;
	[sflag:s0] =	ssyncset.done @!p0 $0x0  }
0x179: {  	[sflag:s0] =	ssyncadd.s32 @!p0 s1  }
0x17a: {  	[bflag:$0x3] =	sbarrier.arrive $0xFFFF  }
0x17b: {  	_ =	shalt  }

// kernel: kernel.8.cloned.1.call-start
scs
__scs_entry_jumppad:
0x0: {  	(pc) =	sbr.rel $0x88, $3  }
0x1: {  	(tag) =	ssettag $0x0;
	lr =	simm.s32 $0x1  }
0x2: {  	[smem:$0x3F94] =	sst lr;
	_ =	strace $0xD0000000  }
0x3: {  	_ = 	snop  }
0x4: {  	_ = 	snop  }
0x5: {  	_ = 	snop  }
0x6: {  	_ = 	snop  }
0x7: {  	_ = 	snop  }
__scs_overlays_trampoline_lowered:
0x8: {  	[smem:$0x3FA3] =	sst s0  }
0x9: {  	[smem:$0x3FA4] =	sst s1  }
0xa: {  	[smem:$0x3FA5] =	sst s2  }
0xb: {  	[smem:$0x3FA6] =	sst s3  }
0xc: {  	[smem:$0x3FA7] =	sst s4  }
0xd: {  	[smem:$0x3FA8] =	sst s5  }
0xe: {  	[smem:$0x3FA9] =	sst s6  }
0xf: {  	[smem:$0x3FAA] =	sst s7  }
0x10: {  	[smem:$0x3FAB] =	sst s8  }
0x11: {  	[smem:$0x3FAC] =	sst s9;
	s0 =	simm.s32 @!p0 $0x0  }
0x12: {  	s1 =	sld [smem:$0x3F92];
	s0 =	simm.s32 @p0 $0x1  }
0x13: {  	[smem:$0x3FAD] =	sst s0;
	s0 =	simm.s32 @!p1 $0x0  }
0x14: {  	s2 =	sld [smem:$0x3F91];
	s0 =	simm.s32 @p1 $0x1  }
0x15: {  	[smem:$0x3FAE] =	sst s0;
	s0 =	simm.s32 @!p2 $0x0  }
0x16: {  	s3 =	sld [smem:$0x3FDB];
	s0 =	simm.s32 @p2 $0x1  }
0x17: {  	s4 =	simm.s32 $0x1BF5;
	[smem:$0x3FB0] =	sst s0  }
0x18: {  	s0 =	sld [smem:$0x3F93];
	_ =	swait.ge [sflag:s4], $0x0  }
0x19: {  	s7 =	sld [smem:$0x3F94]  }
0x1a: {  	s8 =	sadd.s32 $0xFFFFE003, lr  }
0x1b: {  	s9 =	sadd.s32 $0xFFFFFEF7, lr;
	s5 =	simm.s32 $0xFFFFFFFF;
	p2 =	slt.u32 s8, $0xFFFFF086  }
0x1c: {  	p1 =	slt.u32 s9, $0xF7A;
	s5 =	simm.s32 @!p2 $0x0  }
0x1d: {  	s5 =	simm.s32 @p1 $0x1;
	p0 =	seq.s32 s7, s2  }
0x1e: {  	s7 =	smul.u32 @!p0 $0xF7A, s2;
	p2 =	seq.s32 @!p0 s5, $0x0  }
0x1f: {  	s9 =	smul.u32 $0xF7A, s1;
	s8 =	simm.s32 @!p0 $0x1BF5;
	p2 =	por !p2, p0  }
0x20: {  	[sflag:s8] =	ssyncset.s32 @!p0 $0xFFFFF086;
	s6 =	sadd.s32 @!p0 s3, s7;
	s7 =	simm.s32 @!p0 $0x108  }
0x21: {  	s3 =	sadd.s32 s3, s9;
	s6 =	sadd.s32 @!p0 $0x88, s6;
	s7 =	simm.s32 @p2 $0x1082  }
0x22: {  	[simem:s7], [sflag:s8] =	dma.local @!p0 [hbm:s6], $0xF7A  }
0x23: {  	s9 =	sor.u32 $0xD0000000, s2;
	s6 =	simm.s32 $0x108;
	_ =	swait.ge @!p0 [sflag:s8], $0x0  }
0x24: {  	s3 =	sadd.s32 $0x88, s3;
	s6 =	simm.s32 @!p1 $0x1082;
	[sflag:s4] =	ssyncset.s32 $0xFFFFF086  }
0x25: {  	[simem:s6], [sflag:s4] =	dma.local [hbm:s3], $0xF7A  }
0x26: {  	[smem:$0x3F94] =	sst s1;
	(tag) =	ssettag s2;
	_ =	strace s9  }
0x27: {  	s1 =	sld [smem:$0x3FA4]  }
0x28: {  	s2 =	sld [smem:$0x3FA5]  }
0x29: {  	s4 =	sld [smem:$0x3FA7]  }
0x2a: {  	p0 =	seq.s32 s5, $0x0;
	s5 =	sld [smem:$0x3FA8]  }
0x2b: {  	s6 =	sld [smem:$0x3FA9]  }
0x2c: {  	s7 =	sld [smem:$0x3FAA]  }
0x2d: {  	s3 =	simm.s32 $0x108;
	s8 =	sld [smem:$0x3FAB]  }
0x2e: {  	s3 =	simm.s32 @!p0 $0x1082;
	s9 =	sld [smem:$0x3FAC]  }
0x2f: {  	lr =	sadd.s32 s0, s3;
	s0 =	sld [smem:$0x3FA3]  }
0x30: {  	s3 =	sld [smem:$0x3FA6]  }
0x31: {  	[smem:$0x3FAF] =	sst s10  }
0x32: {  	s10 =	sld [smem:$0x3FAD];
	_ =	sdelay $0x3  }
0x33: {  	p0 =	seq.s32 s10, $0x1;
	s10 =	sld [smem:$0x3FAF];
	_ =	sdelay $0x3  }
0x34: {  	[smem:$0x3FAF] =	sst s10  }
0x35: {  	s10 =	sld [smem:$0x3FAE];
	_ =	sdelay $0x3  }
0x36: {  	p1 =	seq.s32 s10, $0x1;
	s10 =	sld [smem:$0x3FAF];
	_ =	sdelay $0x3  }
0x37: {  	[smem:$0x3FAF] =	sst s10  }
0x38: {  	s10 =	sld [smem:$0x3FB0]  }
0x39: {  	_ = 	snop;
	(pc) =	sbr.ind lr, $3  }
0x3a: {  	_ = 	snop  }
0x3b: {  	_ = 	snop  }
0x3c: {  	p2 =	seq.s32 s10, $0x1;
	s10 =	sld [smem:$0x3FAF]  }
0x3d: {  	_ =	shalt  }
0x3e: {  	_ =	shalt  }
0x3f: {  	_ =	shalt  }
0x40: {  	_ =	shalt  }
0x41: {  	_ =	shalt  }
0x42: {  	_ =	shalt  }
0x43: {  	_ =	shalt  }
0x44: {  	_ =	shalt  }
0x45: {  	_ =	shalt  }
0x46: {  	_ =	shalt  }
0x47: {  	_ =	shalt  }
0x48: {  	_ =	shalt  }
0x49: {  	_ =	shalt  }
0x4a: {  	_ =	shalt  }
0x4b: {  	_ =	shalt  }
0x4c: {  	_ =	shalt  }
0x4d: {  	_ =	shalt  }
0x4e: {  	_ =	shalt  }
0x4f: {  	_ =	shalt  }
0x50: {  	_ =	shalt  }
0x51: {  	_ =	shalt  }
0x52: {  	_ =	shalt  }
0x53: {  	_ =	shalt  }
0x54: {  	_ =	shalt  }
0x55: {  	_ =	shalt  }
0x56: {  	_ =	shalt  }
0x57: {  	_ =	shalt  }
0x58: {  	_ =	shalt  }
0x59: {  	_ =	shalt  }
0x5a: {  	_ =	shalt  }
0x5b: {  	_ =	shalt  }
0x5c: {  	_ =	shalt  }
0x5d: {  	_ =	shalt  }
0x5e: {  	_ =	shalt  }
0x5f: {  	_ =	shalt  }
0x60: {  	_ =	shalt  }
0x61: {  	_ =	shalt  }
0x62: {  	_ =	shalt  }
0x63: {  	_ =	shalt  }
0x64: {  	_ =	shalt  }
0x65: {  	_ =	shalt  }
0x66: {  	_ =	shalt  }
0x67: {  	_ =	shalt  }
0x68: {  	_ =	shalt  }
0x69: {  	_ =	shalt  }
0x6a: {  	_ =	shalt  }
0x6b: {  	_ =	shalt  }
0x6c: {  	_ =	shalt  }
0x6d: {  	_ =	shalt  }
0x6e: {  	_ =	shalt  }
0x6f: {  	_ =	shalt  }
0x70: {  	_ =	shalt  }
0x71: {  	_ =	shalt  }
0x72: {  	_ =	shalt  }
0x73: {  	_ =	shalt  }
0x74: {  	_ =	shalt  }
0x75: {  	_ =	shalt  }
0x76: {  	_ =	shalt  }
0x77: {  	_ =	shalt  }
0x78: {  	_ =	shalt  }
0x79: {  	_ =	shalt  }
0x7a: {  	_ =	shalt  }
0x7b: {  	_ =	shalt  }
0x7c: {  	_ =	shalt  }
0x7d: {  	_ =	shalt  }
0x7e: {  	_ =	shalt  }
0x7f: {  	_ =	shalt  }
0x80: {  	_ =	shalt  }
0x81: {  	_ =	shalt  }
0x82: {  	_ =	shalt  }
0x83: {  	_ =	shalt  }
0x84: {  	_ =	shalt  }
0x85: {  	_ =	shalt  }
0x86: {  	_ =	shalt  }
0x87: {  	_ =	shalt  }
.Lfunc_end0:
.L_simem_size_0:
called_computation.1_lowered:
.L_overlay_start_0:
0x88: {  	s2 =	sld [smem:$0x3FD9]  }
0x89: {  	s3 =	sld [smem:$0x3FFE];
	_ =	sdelay $0x1  }
0x8a: {  	s1 =	srdreg.scid  }
0x8b: {  	s0 =	sand.u32 $0x1, s1  }
0x8c: {  	s17 =	sshll.u32 s0, $0xA;
	s2 =	sadd.s32 s3, s2  }
0x8d: {  	s2 =	sadd.s32 s2, s17  }
0x8e: {  	[smem:$0x3FBB] =	sst s2  }
0x8f: {  	_ = 	snop  }
0x90: {  	s2 =	sld [smem:$0x3FC9];
	(tm) =	ssettm $0x1  }
0x91: {  	s18 =	sld [smem:$0x3FFB];
	_ =	sdelay $0x3  }
0x92: {  	_ =	strace s18  }
0x93: {  	s3 =	sld [smem:$0x3FFC];
	_ =	sdelay $0x3  }
0x94: {  	_ =	strace s3  }
0x95: {  	s3 =	sld [smem:$0x3FFD];
	_ =	sdelay $0x3  }
0x96: {  	_ =	strace s3  }
0x97: {  	_ =	strace $0x8FFFFFFF  }
0x98: {  	s19 =	sld [smem:$0x3FDB];
	_ =	sdelay $0x1  }
0x99: {  	s4 =	simm.s32 $_scs_section_size  }
0x9a: {  	s5 =	simm.s32 $_size__tile_overlayer_lowered;
	s6 =	simm.s32 $_tile_overlayer_lowered  }
0x9b: {  	s22 =	simm.s32 $0x1BFF;
	s21 =	sshll.u32 s6, $0x1;
	s3 =	sadd.s32 s4, s19  }
0x9c: {  	s7 =	simm.s32 $0x0;
	s20 =	sshll.u32 s5, $0x1;
	s5 =	sadd.s32 s21, s3  }
0x9d: {  	[timem:s7], [sflag:s22] =	dma.local [hbm:s5], s20  }
0x9e: {  	_ =	swait.ge [sflag:s22], s20  }
0x9f: {  	s4 =	ssub.s32 $0x0, s20;
	[sflag:s22] =	ssyncset.done $0x0  }
0xa0: {  	[sflag:s22] =	ssyncadd.s32 s4;
	_ =	sdelay $0x1  }
0xa1: {  	s23 =	simm.s32 $0x1B8B  }
0xa2: {  	_ =	swait.ge [sflag:s23], $0x1  }
0xa3: {  	[sflag:s23] =	ssyncset.done $0x0  }
0xa4: {  	s25 =	simm.s32 $0x1B8E;
	s24 =	sld [smem:$0x3FFE];
	[sflag:s23] =	ssyncadd.s32 $0xFFFFFFFF  }
0xa5: {  	s26 =	simm.s32 $execute0_lowered;
	[smem:$0x3FD2] =	sst s25  }
0xa6: {  	s5 =	sshll.u32 s26, $0x1;
	_ =	strace $0x80000046;
	[dreg:$0x1] =	wrdreg $0xFFFFFFFF  }
0xa7: {  	s28 =	simm.s32 $_size_execute0_lowered;
	s3 =	sadd.s32 s3, s5;
	[dreg:$0x0] =	wrdreg $0x0  }
0xa8: {  	s5 =	sshll.u32 s28, $0x1;
	[dreg:$0x2] =	wrdreg s3  }
0xa9: {  	[dreg:$0x3] =	wrdreg s5  }
0xaa: {  	[dreg:$0x4] =	wrdreg $0xC0  }
0xab: {  	_ =	task [dreg:s7], $0x5FFFF  }
0xac: {  	[dreg:$0x1] =	wrdreg $0xFFFFFFFF  }
0xad: {  	[dreg:$0x0] =	wrdreg $0x60  }
0xae: {  	[dreg:$0x2] =	wrdreg s2  }
0xaf: {  	[dreg:$0x3] =	wrdreg s24  }
0xb0: {  	[dreg:$0x4] =	wrdreg $0xA  }
0xb1: {  	_ =	task.clear_ibuf [dreg:s7], $0x5FFFF;
	_ =	strace $0x90000046  }
0xb2: {  	s29 =	simm.s32 $0xA;
	_ =	strace $0x80000048  }
0xb3: {  	_ =	swait.ge [sflag:s29], $0x1  }
0xb4: {  	[sflag:s29] =	ssyncadd.s32 $0xFFFFFFFF  }
0xb5: {  	_ =	strace $0x90000048  }
0xb6: {  	_ =	sfence  }
0xb7: {  	s30 =	sld [smem:$0x0];
	_ =	sdelay $0x2  }
0xb8: {  	s31 =	sshll.u32 s1, $0xD;
	s1 =	sshrl.u32 s1, $0x2  }
0xb9: {  	s3 =	sand.u32 $0x4000, s31;
	s1 =	sadd.s32 s1, s30  }
0xba: {  	s0 =	sor.u32 s3, s0;
	s1 =	sshll.u32 s1, $0x11  }
0xbb: {  	s0 =	sor.u32 s1, s0  }
0xbc: {  	s0 =	sadd.s32 $0x8F2B, s0  }
0xbd: {  	[sflag:s0] =	ssyncadd.remote.s32 $0x1  }
0xbe: {  	_ =	sfence.sel $0xFFFF  }
0xbf: {  	[dreg:$0x0] =	wrdreg $0xFFFFFFFF;
	(pc) =	sbr.abs _section_cstart, $3  }
0xc0: {  	[dreg:$0x1] =	wrdreg $0xFFFFFFFF  }
0xc1: {  	_ =	task.clear_ibuf [dreg:s7], $0x2FFFF;
	_ =	strace $0x9FFFFFFF  }
0xc2: {  	(tm) =	ssettm $0x7FFFFFFF  }
0xc3: {  	_ =	shalt  }
tec
execute0_lowered:
.L_overlay_start_1:
0x0: {  	(tag) =	ssettag $0x1  }
0x1: {  	s4 =	rddreg [dreg:$0x0]  }
0x2: {  	s5 =	rddreg [dreg:$0x1]  }
0x3: {  	s0 =	rddreg [dreg:$0x2];
	s2 =	simm.s32 $0x0;
	s3 =	srdreg.scid  }
0x4: {  	s1 =	stileid.u32;
	s10 =	simm.s32 $0x0;
	s6 =	sand.u32 $0x1, s3  }
0x5: {  	[smem:$0x7FF] =	sst s2;
	s7 =	sshll.u32 s1, $0x8;
	s8 =	sshll.u32 s6, $0x7  }
0x6: {  	s3 =	sadd.s32 $0x2000, s5;
	s6 =	ssub.s32 $0x2, s6;
	s7 =	sor.u32 s8, s7  }
0x7: {  	_ =	strace $0x80000047;
	s9 =	sshrl.u32 s6, $0x1;
	s8 =	sshll.u32 s7, $0x4  }
0x8: {  	s7 =	sshrl.u32 s7, $0x3;
	s6 =	ssub.s32 s6, s9;
	s9 =	simm.s32 $0x80  }
0x9: {  	s5 =	sadd.s32 s8, s5;
	s4 =	sadd.s32 s4, s7;
	s6 =	smax.u32 s6, $0x1  }
0xa: {  	s7 =	simm.s32 $0x2;
	s8 =	simm.s32 $0x1;
	s5 =	sadd.s32 $0xF44400, s5  }
.LBB2_1:
0xb: {  	[tilespmem:s2], [sflag:$0x2] =	stream.linear.gather [hbm4b:s4+s2], $0x80, $0x38;
	[tilespmem:$0x4080] =	vst v63  }
0xc: {  	_ =	swait.ge [sflag:s7], $0x80  }
0xd: {  	[sflag:s7] =	ssyncset.done $0x0  }
0xe: {  	[sflag:s7] =	ssyncadd.s32 $0xFFFFFF80  }
0xf: {  	v0 =	vld [tilespmem:s2+$0x0];
	_ =	sdelay $0x4  }
0x10: {  	v0 =	vshll.u32 v0, $0x4  }
0x11: {  	(v2sf) =	vpush v0, $0x0  }
0x12: {  	(v2sf) =	vpush v0, $0x1  }
0x13: {  	(v2sf) =	vpush v0, $0x2;
	_ =	sdelay $0x1  }
0x14: {  	(v2sf) =	vpush v0, $0x4;
	_ =	sdelay $0x1  }
0x15: {  	(v2sf) =	vpush v0, $0x3  }
0x16: {  	(v2sf) =	vpush v0, $0x5  }
0x17: {  	s12 =	simm.s32 $0x2000;
	s11 =	simm.s32 $0x0;
	s13 =	simm.s32 $0x0;
	(v2sf) =	vpush v0, $0x6  }
.LBB2_2:
0x18: {  	p0 =	sne.s32 s12, $0xE000  }
0x19: {  	s23 =	sadd.s32 $0x100, s11;
	s17 =	sadd.s32 $0x600, s11;
	s14 =	smov.u32 s12  }
0x1a: {  	s12 =	sadd.s32 $0x2000, s12;
	s20 =	sadd.s32 $0x400, s11;
	s15 =	sadd.s32 $0x680, s11;
	(v2sf) =	vpush v0, $0x7  }
0x1b: {  	s22 =	sadd.s32 $0x300, s11;
	s19 =	sadd.s32 $0x480, s11;
	s16 =	sadd.s32 $0x700, s11  }
0x1c: {  	s24 =	sadd.s32 $0x80, s11;
	s25 =	sadd.s32 $0x280, s11;
	(v2sf) =	vpush v0, $0x8  }
0x1d: {  	s26 =	sadd.s32 $0x380, s11;
	s13 =	sadd.s32 $0x10, s13  }
0x1e: {  	s28 =	sadd.s32 $0x180, s11;
	s18 =	sadd.s32 $0x580, s11;
	s21 =	spop (v2sf);
	(v2sf) =	vpush v0, $0x9  }
0x1f: {  	s29 =	sand.u32 $0x1FFFFFF0, s21;
	s21 =	sadd.s32 $0x500, s11;
	s30 =	spop (v2sf)  }
0x20: {  	s29 =	sadd.s32 s3, s29;
	s30 =	sand.u32 $0x1FFFFFF0, s30;
	s31 =	spop (v2sf);
	(v2sf) =	vpush v0, $0xA  }
0x21: {  	[tilespmem:s24], [sflag:$0x1] =	stream.linear.gather [hbm4b:s29+s2], $0x80, $0x38;
	[tilespmem:$0x4080] =	vst v63  }
0x22: {  	s24 =	sadd.s32 s3, s30;
	s29 =	sadd.s32 $0x200, s11;
	s30 =	spop (v2sf);
	(v2sf) =	vpush v0, $0xB  }
0x23: {  	[tilespmem:s23], [sflag:$0x1] =	stream.linear.gather [hbm4b:s24+s2], $0x80, $0x38;
	[tilespmem:$0x4080] =	vst v63  }
0x24: {  	s23 =	sand.u32 $0x1FFFFFF0, s31;
	s24 =	sand.u32 $0x1FFFFFF0, s30;
	s30 =	spop (v2sf);
	(v2sf) =	vpush v0, $0xC  }
0x25: {  	s23 =	sadd.s32 s3, s23;
	s30 =	sand.u32 $0x1FFFFFF0, s30;
	s31 =	spop (v2sf)  }
0x26: {  	[tilespmem:s28], [sflag:$0x1] =	stream.linear.gather [hbm4b:s23+s2], $0x80, $0x38;
	(v2sf) =	vpush v0, $0xD;
	[tilespmem:$0x4080] =	vst v63  }
0x27: {  	s23 =	sadd.s32 s3, s30;
	s28 =	sand.u32 $0x1FFFFFF0, s31;
	s30 =	spop (v2sf)  }
0x28: {  	[tilespmem:s29], [sflag:$0x1] =	stream.linear.gather [hbm4b:s23+s2], $0x80, $0x38;
	(v2sf) =	vpush v0, $0xE;
	[tilespmem:$0x4080] =	vst v63  }
0x29: {  	s23 =	sadd.s32 s3, s24;
	s24 =	sand.u32 $0x1FFFFFF0, s30;
	s29 =	spop (v2sf)  }
0x2a: {  	[tilespmem:s25], [sflag:$0x1] =	stream.linear.gather [hbm4b:s23+s2], $0x80, $0x38;
	(v2sf) =	vpush v0, $0xF;
	[tilespmem:$0x4080] =	vst v63  }
0x2b: {  	s23 =	sadd.s32 s3, s28;
	s25 =	sand.u32 $0x1FFFFFF0, s29;
	s28 =	spop (v2sf)  }
0x2c: {  	[tilespmem:s22], [sflag:$0x1] =	stream.linear.gather [hbm4b:s23+s2], $0x80, $0x38;
	[tilespmem:$0x4080] =	vst v63  }
0x2d: {  	s22 =	sadd.s32 s3, s24;
	s23 =	sand.u32 $0x1FFFFFF0, s28;
	s24 =	spop (v2sf)  }
0x2e: {  	[tilespmem:s26], [sflag:$0x1] =	stream.linear.gather [hbm4b:s22+s2], $0x80, $0x38;
	[tilespmem:$0x4080] =	vst v63  }
0x2f: {  	s22 =	sadd.s32 s3, s25;
	s24 =	sand.u32 $0x1FFFFFF0, s24;
	s25 =	spop (v2sf)  }
0x30: {  	[tilespmem:s20], [sflag:$0x1] =	stream.linear.gather [hbm4b:s22+s2], $0x80, $0x38;
	[tilespmem:$0x4080] =	vst v63  }
0x31: {  	s20 =	sadd.s32 s3, s23;
	s22 =	sand.u32 $0x1FFFFFF0, s25;
	s23 =	spop (v2sf)  }
0x32: {  	[tilespmem:s19], [sflag:$0x1] =	stream.linear.gather [hbm4b:s20+s2], $0x80, $0x38;
	[tilespmem:$0x4080] =	vst v63  }
0x33: {  	s19 =	sadd.s32 s3, s24;
	s20 =	sand.u32 $0x1FFFFFF0, s23;
	s23 =	spop (v2sf)  }
0x34: {  	[tilespmem:s21], [sflag:$0x1] =	stream.linear.gather [hbm4b:s19+s2], $0x80, $0x38;
	[tilespmem:$0x4080] =	vst v63  }
0x35: {  	s19 =	sadd.s32 s3, s22;
	s21 =	sand.u32 $0x1FFFFFF0, s23;
	s22 =	spop (v2sf)  }
0x36: {  	[tilespmem:s18], [sflag:$0x1] =	stream.linear.gather [hbm4b:s19+s2], $0x80, $0x38;
	[tilespmem:$0x4080] =	vst v63  }
0x37: {  	s18 =	sadd.s32 s3, s20;
	s19 =	sand.u32 $0x1FFFFFF0, s22;
	s20 =	spop (v2sf)  }
0x38: {  	[tilespmem:s17], [sflag:$0x1] =	stream.linear.gather [hbm4b:s18+s2], $0x80, $0x38;
	[tilespmem:$0x4080] =	vst v63  }
0x39: {  	s17 =	sadd.s32 s3, s21;
	s18 =	sand.u32 $0x1FFFFFF0, s20;
	s20 =	spop (v2sf)  }
0x3a: {  	[tilespmem:s15], [sflag:$0x1] =	stream.linear.gather [hbm4b:s17+s2], $0x80, $0x38;
	[tilespmem:$0x4080] =	vst v63  }
0x3b: {  	s15 =	sadd.s32 s3, s19;
	s17 =	sand.u32 $0x1FFFFFF0, s20  }
0x3c: {  	[tilespmem:s16], [sflag:$0x1] =	stream.linear.gather [hbm4b:s15+s2], $0x80, $0x38;
	[tilespmem:$0x4080] =	vst v63  }
0x3d: {  	s15 =	sadd.s32 $0x780, s11;
	s16 =	sadd.s32 s3, s18  }
0x3e: {  	[tilespmem:s15], [sflag:$0x1] =	stream.linear.gather [hbm4b:s16+s2], $0x80, $0x38;
	[tilespmem:$0x4080] =	vst v63  }
0x3f: {  	s11 =	sadd.s32 $0x800, s11;
	s15 =	sadd.s32 s3, s17  }
0x40: {  	[tilespmem:s11], [sflag:$0x1] =	stream.linear.gather [hbm4b:s15+s2], $0x80, $0x38;
	[tilespmem:$0x4080] =	vst v63  }
0x41: {  	v0 =	vld [tilespmem:s13+$0x0];
	_ =	sdelay $0x4  }
0x42: {  	v0 =	vshll.u32 v0, $0x4  }
0x43: {  	(v2sf) =	vpush v0, $0x0  }
0x44: {  	(v2sf) =	vpush v0, $0x1  }
0x45: {  	(v2sf) =	vpush v0, $0x2;
	_ =	sdelay $0x1  }
0x46: {  	(v2sf) =	vpush v0, $0x4  }
.Ltmp0:
0x47: {  	(pc) =	sbr.rel @p0 .LBB2_2-.Ltmp0, $3  }
0x48: {  	(v2sf) =	vpush v0, $0x3  }
0x49: {  	(v2sf) =	vpush v0, $0x5;
	_ =	sdelay $0x1  }
0x4a: {  	s11 =	sshra.s32 s14, $0x2;
	(v2sf) =	vpush v0, $0x6  }
0x4b: {  	_ =	sdelay $0x1  }
0x4c: {  	s15 =	sadd.s32 $0x100, s11;
	s14 =	sadd.s32 $0x600, s11  }
0x4d: {  	s16 =	sadd.s32 $0x400, s11;
	s12 =	sadd.s32 $0x680, s11;
	(v2sf) =	vpush v0, $0x7;
	s17 =	sadd.s32 $0x300, s11  }
0x4e: {  	s18 =	sadd.s32 $0x480, s11;
	s13 =	sadd.s32 $0x700, s11;
	s19 =	sadd.s32 $0x80, s11  }
0x4f: {  	s20 =	sadd.s32 $0x280, s11;
	s21 =	sadd.s32 $0x380, s11;
	(v2sf) =	vpush v0, $0x8;
	s22 =	spop (v2sf)  }
0x50: {  	s23 =	sadd.s32 $0x180, s11;
	s22 =	sand.u32 $0x1FFFFFF0, s22;
	s24 =	spop (v2sf)  }
0x51: {  	(v2sf) =	vpush v0, $0x9;
	s22 =	sadd.s32 s3, s22;
	s24 =	sand.u32 $0x1FFFFFF0, s24;
	s25 =	spop (v2sf)  }
0x52: {  	[tilespmem:s19], [sflag:$0x1] =	stream.linear.gather [hbm4b:s22+s2], $0x80, $0x38;
	[tilespmem:$0x4080] =	vst v63  }
0x53: {  	s26 =	sadd.s32 $0x200, s11;
	(v2sf) =	vpush v0, $0xA;
	s30 =	sadd.s32 s3, s24;
	s31 =	spop (v2sf)  }
0x54: {  	[tilespmem:s15], [sflag:$0x1] =	stream.linear.gather [hbm4b:s30+s2], $0x80, $0x38;
	[tilespmem:$0x4080] =	vst v63  }
0x55: {  	s19 =	sadd.s32 $0x580, s11;
	s28 =	sand.u32 $0x1FFFFFF0, s25;
	(v2sf) =	vpush v0, $0xB;
	s29 =	spop (v2sf)  }
0x56: {  	s22 =	sadd.s32 s3, s28;
	s15 =	sadd.s32 $0x500, s11;
	s25 =	sand.u32 $0x1FFFFFF0, s29  }
0x57: {  	(v2sf) =	vpush v0, $0xC;
	[tilespmem:s23], [sflag:$0x1] =	stream.linear.gather [hbm4b:s22+s2], $0x80, $0x38;
	[tilespmem:$0x4080] =	vst v63  }
0x58: {  	s30 =	sand.u32 $0x1FFFFFF0, s31;
	s31 =	spop (v2sf);
	s28 =	sadd.s32 s3, s25  }
0x59: {  	(v2sf) =	vpush v0, $0xD;
	[tilespmem:s26], [sflag:$0x1] =	stream.linear.gather [hbm4b:s28+s2], $0x80, $0x38;
	[tilespmem:$0x4080] =	vst v63  }
0x5a: {  	s22 =	sadd.s32 s3, s30;
	s23 =	sand.u32 $0x1FFFFFF0, s31;
	s29 =	spop (v2sf)  }
0x5b: {  	(v2sf) =	vpush v0, $0xE;
	[tilespmem:s20], [sflag:$0x1] =	stream.linear.gather [hbm4b:s22+s2], $0x80, $0x38;
	[tilespmem:$0x4080] =	vst v63  }
0x5c: {  	s23 =	sadd.s32 s3, s23;
	s30 =	sand.u32 $0x1FFFFFF0, s29;
	s31 =	spop (v2sf)  }
0x5d: {  	(v2sf) =	vpush v0, $0xF;
	[tilespmem:s17], [sflag:$0x1] =	stream.linear.gather [hbm4b:s23+s2], $0x80, $0x38;
	[tilespmem:$0x4080] =	vst v63  }
0x5e: {  	s24 =	sand.u32 $0x1FFFFFF0, s31;
	s25 =	spop (v2sf);
	s20 =	sadd.s32 s3, s30  }
0x5f: {  	[tilespmem:s21], [sflag:$0x1] =	stream.linear.gather [hbm4b:s20+s2], $0x80, $0x38;
	[tilespmem:$0x4080] =	vst v63  }
0x60: {  	s26 =	sand.u32 $0x1FFFFFF0, s25;
	s17 =	sadd.s32 s3, s24;
	s28 =	spop (v2sf)  }
0x61: {  	[tilespmem:s16], [sflag:$0x1] =	stream.linear.gather [hbm4b:s17+s2], $0x80, $0x38;
	[tilespmem:$0x4080] =	vst v63  }
0x62: {  	s20 =	sadd.s32 s3, s26;
	s29 =	sand.u32 $0x1FFFFFF0, s28;
	s30 =	spop (v2sf)  }
0x63: {  	[tilespmem:s18], [sflag:$0x1] =	stream.linear.gather [hbm4b:s20+s2], $0x80, $0x38;
	[tilespmem:$0x4080] =	vst v63  }
0x64: {  	s17 =	sand.u32 $0x1FFFFFF0, s30;
	s16 =	sadd.s32 s3, s29;
	s31 =	spop (v2sf)  }
0x65: {  	[tilespmem:s15], [sflag:$0x1] =	stream.linear.gather [hbm4b:s16+s2], $0x80, $0x38;
	[tilespmem:$0x4080] =	vst v63  }
0x66: {  	s17 =	sadd.s32 s3, s17;
	s20 =	sand.u32 $0x1FFFFFF0, s31;
	s21 =	spop (v2sf)  }
0x67: {  	[tilespmem:s19], [sflag:$0x1] =	stream.linear.gather [hbm4b:s17+s2], $0x80, $0x38;
	[tilespmem:$0x4080] =	vst v63  }
0x68: {  	s15 =	sadd.s32 s3, s20;
	s16 =	sand.u32 $0x1FFFFFF0, s21;
	s22 =	spop (v2sf)  }
0x69: {  	[tilespmem:s14], [sflag:$0x1] =	stream.linear.gather [hbm4b:s15+s2], $0x80, $0x38;
	[tilespmem:$0x4080] =	vst v63  }
0x6a: {  	s23 =	sand.u32 $0x1FFFFFF0, s22;
	s16 =	sadd.s32 s3, s16;
	s24 =	spop (v2sf)  }
0x6b: {  	[tilespmem:s12], [sflag:$0x1] =	stream.linear.gather [hbm4b:s16+s2], $0x80, $0x38;
	[tilespmem:$0x4080] =	vst v63  }
0x6c: {  	s25 =	sand.u32 $0x1FFFFFF0, s24;
	s26 =	spop (v2sf);
	s14 =	sadd.s32 s3, s23  }
0x6d: {  	[tilespmem:s13], [sflag:$0x1] =	stream.linear.gather [hbm4b:s14+s2], $0x80, $0x38;
	[tilespmem:$0x4080] =	vst v63  }
0x6e: {  	s29 =	sadd.s32 $0x780, s11;
	s28 =	sand.u32 $0x1FFFFFF0, s26;
	s12 =	sadd.s32 s3, s25  }
0x6f: {  	[tilespmem:s29], [sflag:$0x1] =	stream.linear.gather [hbm4b:s12+s2], $0x80, $0x38;
	[tilespmem:$0x4080] =	vst v63  }
0x70: {  	s30 =	sadd.s32 $0x800, s11;
	s31 =	sadd.s32 s3, s28  }
0x71: {  	[tilespmem:s30], [sflag:$0x1] =	stream.linear.gather [hbm4b:s31+s2], $0x80, $0x38;
	[tilespmem:$0x4080] =	vst v63  }
0x72: {  	s10 =	sadd.s32 $0x1, s10;
	_ =	swait.ge [sflag:s8], $0x4000  }
0x73: {  	p0 =	sne.s32 s10, s6;
	[sflag:s8] =	ssyncset.done $0x0  }
.Ltmp1:
0x74: {  	[sflag:s8] =	ssyncadd.s32 $0xFFFFC000;
	(pc) =	sbr.rel @p0 .LBB2_1-.Ltmp1, $4  }
0x75: {  	[hbm4b:s5+s2] =	stream.linear.scatter [tilespmem:s9], [sflag:$0x2], $0x4000, $0x38;
	[tilespmem:$0x4080] =	vst v63  }
0x76: {  	_ =	swait.ge [sflag:s7], $0x4000  }
0x77: {  	[sflag:s7] =	ssyncset.done $0x0  }
0x78: {  	[sflag:s7] =	ssyncadd.s32 $0xFFFFC000  }
0x79: {  	_ =	sfence.sel $0x180000  }
0x7a: {  	[bflag:$0x0] =	sbarrier.arrive $0xFFFF  }
0x7b: {  	p0 =	sne.s32 s1, $0x0;
	_ =	strace $0x90000047  }
0x7c: {  	s0 =	sadd.s32 @!p0 $0x100000, s0;
	[bflag:$0x2] =	sbarrier.arrive $0xFFFF  }
0x7d: {  	[sflag:s0] =	ssyncadd.tile.s32 @!p0 $0x1;
	_ =	shalt  }
.Lfunc_end2:
_tile_overlayer_lowered:
.L_overlay_start_2:
0x7e: {  	(tag) =	ssettag $0x2  }
0x7f: {  	s0 =	rddreg [dreg:$0x0];
	s2 =	stileid.u32  }
0x80: {  	s1 =	rddreg [dreg:$0x1];
	p0 =	sne.s32 s2, $0x0  }
0x81: {  	s3 =	rddreg [dreg:$0x2];
	[bflag:$0x3] =	sbarrier.arrive $0xFFFF;
	s2 =	simm.s32 @!p0 $0x1C02  }
0x82: {  	[timem:s3], [sflag:s2] =	dma.local @!p0 [hbm:s0], s1  }
0x83: {  	s0 =	simm.s32 @!p0 $0x2  }
0x84: {  	_ =	swait.ge @!p0 [sflag:s0], s1  }
0x85: {  	s1 =	ssub.s32 @!p0 $0x0, s1;
	[sflag:s0] =	ssyncset.done @!p0 $0x0  }
0x86: {  	[sflag:s0] =	ssyncadd.s32 @!p0 s1  }
0x87: {  	[bflag:$0x3] =	sbarrier.arrive $0xFFFF  }
0x88: {  	_ =	shalt  }

</sc_bundles>
